<compile_context>
chip_gen: v7x
topology: tpu7x:2x2x1
jax: 0.10.2.dev20260603
libtpu: 0.0.44.dev20260713+nightly
codegen_flags: <defaults>
</compile_context>

<pallas_src>
import functools

import jax
import jax.numpy as jnp
from jax import lax
from jax.experimental import pallas as pl
from jax.experimental.pallas import tpu as pltpu
from jax.experimental.pallas import tpu_sc as plsc

NBINS = 256
BATCH, CHANS, H, W = 8, 3, 512, 512
CHAN_ELEMS = H * W
N_CHAN = BATCH * CHANS
N_TOT = N_CHAN * CHAN_ELEMS
NC, NS, L = 2, 16, 16
CH_PER_CORE = N_CHAN // NC
CORE_ELEMS = CH_PER_CORE * CHAN_ELEMS
SUB_ELEMS = CORE_ELEMS // NS
BLK = 16384
NBLK = SUB_ELEMS // BLK
VPB = BLK // L
UNROLL = 4
HBINS = CH_PER_CORE * NBINS
SLICE = HBINS // NS
SCALE = 1.0 / float(N_CHAN * NBINS * CHAN_ELEMS)

_mesh = plsc.VectorSubcoreMesh(
    core_axis_name="c", subcore_axis_name="s", num_cores=NC, num_subcores=NS
)


@functools.partial(
    pl.kernel,
    out_type=jax.ShapeDtypeStruct((NC * L,), jnp.float32),
    mesh=_mesh,
    compiler_params=pltpu.CompilerParams(needs_layout_passes=False),
    scratch_types=[
        pltpu.VMEM((2 * BLK,), jnp.float32),
        pltpu.VMEM((HBINS,), jnp.float32),
        pltpu.VMEM((NS * SLICE,), jnp.float32),
        pltpu.VMEM((L,), jnp.float32),
        pltpu.VMEM((NS * L,), jnp.float32),
        pltpu.VMEM_SHARED((NS * HBINS,), jnp.float32),
        pltpu.VMEM_SHARED((NS * L,), jnp.float32),
        pltpu.SemaphoreType.DMA,
        pltpu.SemaphoreType.DMA,
    ],
)
def _hist_loss(out_hbm, tgt_hbm, res_hbm, buf, hist, tstage, accbuf,
               pbuf, hist_sh, part_sh, sem0, sem1):
    c = lax.axis_index("c")
    s = lax.axis_index("s")
    base = c * CORE_ELEMS + s * SUB_ELEMS

    zero16 = jnp.zeros((L,), jnp.float32)

    @plsc.parallel_loop(0, HBINS // L, 1, unroll=8)
    def _zero(i):
        hist[pl.ds(i * L, L)] = zero16

    sems = (sem0, sem1)
    ones = jnp.full((L,), 1.0, jnp.float32)

    TOT = 2 * NBLK

    pltpu.make_async_copy(
        out_hbm.at[pl.ds(base, BLK)], buf.at[pl.ds(0, BLK)], sems[0]
    ).start()

    def _blk(g, carry):
        for k in range(2):
            b = g * 2 + k
            nb = b + 1
            nxt = (k + 1) % 2

            @pl.when(nb < TOT)
            def _start_next():
                noff = base + jnp.where(nb < NBLK, nb, nb - NBLK) * BLK

                @pl.when(nb < NBLK)
                def _from_out():
                    pltpu.make_async_copy(
                        out_hbm.at[pl.ds(noff, BLK)],
                        buf.at[pl.ds(nxt * BLK, BLK)],
                        sems[nxt],
                    ).start()

                @pl.when(nb >= NBLK)
                def _from_tgt():
                    pltpu.make_async_copy(
                        tgt_hbm.at[pl.ds(noff, BLK)],
                        buf.at[pl.ds(nxt * BLK, BLK)],
                        sems[nxt],
                    ).start()

            pltpu.make_async_copy(
                out_hbm.at[pl.ds(base, BLK)], buf.at[pl.ds(k * BLK, BLK)],
                sems[k]
            ).wait()

            sign = jnp.where(b < NBLK, 1.0, -1.0).astype(jnp.float32)
            val = ones * sign
            bb = jnp.where(b < NBLK, b, b - NBLK)
            goff = s * SUB_ELEMS + bb * BLK
            cbase = (goff // CHAN_ELEMS) * NBINS

            @plsc.parallel_loop(0, VPB, 1, unroll=UNROLL)
            def _vec(j):
                v = buf[pl.ds(k * BLK + j * L, L)]
                x = jnp.clip(v * float(NBINS), 0.0, float(NBINS - 1))
                idx = x.astype(jnp.int32) + cbase
                plsc.addupdate_scatter(hist, (idx,), val)
        return carry

    lax.fori_loop(0, TOT // 2, _blk, 0)

    pltpu.sync_copy(hist, hist_sh.at[pl.ds(s * HBINS, HBINS)])
    plsc.subcore_barrier()

    col = s * SLICE
    for w in range(NS):
        pltpu.make_async_copy(
            hist_sh.at[pl.ds(w * HBINS + col, SLICE)],
            tstage.at[pl.ds(w * SLICE, SLICE)],
            sem0,
        ).start()
    pltpu.make_async_copy(hist_sh.at[pl.ds(0, NS * SLICE)], tstage, sem0).wait()

    @plsc.parallel_loop(0, SLICE // L, 1, carry=zero16)
    def _mrg(j, partial):
        t = tstage[pl.ds(j * L, L)]
        for w in range(1, NS):
            t = t + tstage[pl.ds(w * SLICE + j * L, L)]
        return partial + jnp.abs(t)

    acc = _mrg

    accbuf[...] = acc
    pltpu.sync_copy(accbuf, part_sh.at[pl.ds(s * L, L)])
    plsc.subcore_barrier()

    @pl.when(s == 0)
    def _finish():
        pltpu.sync_copy(part_sh, pbuf)
        tot = zero16
        for w in range(NS):
            tot = tot + pbuf[pl.ds(w * L, L)]
        accbuf[...] = tot * SCALE
        pltpu.sync_copy(accbuf, res_hbm.at[pl.ds(c * L, L)])


def _flat_tiled(x):
    x5 = x.reshape(N_CHAN, H // 8, 8, W // 128, 128)
    return x5.transpose(0, 1, 3, 2, 4).reshape(-1)


def kernel(output, target):
    parts = _hist_loss(_flat_tiled(output), _flat_tiled(target))
    return jnp.sum(parts)

# --- scband reference (transcript-rebuilt; emitter-appended) ---
"""Pipeline reference for scband-histogram-loss-78615081386441 (READ-ONLY COPY).

The authoritative reference and input builder live on the scoring server;
editing this copy changes nothing except your own understanding.
"""

import jax, jax.numpy as jnp
import numpy as np

NUM_BINS = 256


def setup_inputs(seed: int = 0) -> dict:
    key = jax.random.key(seed)
    k1, k2 = jax.random.split(key)
    output = jax.random.uniform(k1, (8, 3, 512, 512), dtype=jnp.float32)
    target = jax.random.uniform(k2, (8, 3, 512, 512), dtype=jnp.float32)
    return {"output": output, "target": target}


def _per_channel_hists(x, num_bins):
    # Equivalent of torch.histc(channel, bins=num_bins, min=0.0, max=1.0)
    # applied independently to every (b, c) channel.
    B, C, H, W = x.shape
    flat = x.reshape(B * C, H * W)
    # bin index = floor(v * num_bins), values exactly at max go to last bin
    idx = jnp.clip(jnp.floor(flat * num_bins).astype(jnp.int32), 0, num_bins - 1)
    row = jnp.arange(B * C, dtype=jnp.int32)[:, None]
    seg = (row * num_bins + idx).reshape(-1)
    hist = jax.ops.segment_sum(
        jnp.ones(seg.shape[0], dtype=jnp.float32),
        seg,
        num_segments=B * C * num_bins,
    )
    return hist.reshape(B * C, num_bins)


def reference(output, target):
    num_bins = NUM_BINS
    h_out = _per_channel_hists(output, num_bins)
    h_tgt = _per_channel_hists(target, num_bins)
    h_out = h_out / jnp.sum(h_out, axis=1, keepdims=True)
    h_tgt = h_tgt / jnp.sum(h_tgt, axis=1, keepdims=True)
    # F.l1_loss (mean over bins) per (b, c) channel, then average over B*C
    per_channel = jnp.mean(jnp.abs(h_out - h_tgt), axis=1)
    return jnp.mean(per_channel)

if __name__ == "__main__":
    import jax
    _d = setup_inputs()
    print(jax.jit(kernel)(*tuple(_d.values())))

</pallas_src>

<mosaic_0001>
#map = affine_map<(d0, d1) -> (0)>
module attributes {stable_mosaic.version = 14 : i64} {
  func.func @_hist_loss(%arg0: i32, %arg1: i32, %arg2: memref<6291456xf32, #tpu.memory_space<hbm>>, %arg3: memref<6291456xf32, #tpu.memory_space<hbm>>, %arg4: memref<32xf32, #tpu.memory_space<hbm>>, %arg5: memref<32768xf32, #tpu.memory_space<vmem>>, %arg6: memref<3072xf32, #tpu.memory_space<vmem>>, %arg7: memref<3072xf32, #tpu.memory_space<vmem>>, %arg8: memref<16xf32, #tpu.memory_space<vmem>>, %arg9: memref<256xf32, #tpu.memory_space<vmem>>, %arg10: memref<49152xf32, #tpu.memory_space<vmem_shared>>, %arg11: memref<256xf32, #tpu.memory_space<vmem_shared>>, %arg12: memref<!tpu.dma_semaphore, #tpu.memory_space<semaphore_mem>>, %arg13: memref<!tpu.dma_semaphore, #tpu.memory_space<semaphore_mem>>) attributes {dimension_semantics = [#tpu.dimension_semantics<core_parallel>, #tpu.dimension_semantics<subcore_parallel>], iteration_bounds = array<i64: 2, 16>, scalar_prefetch = 0 : i64, scratch_operands = 9 : i64, tpu.core_type = #tpu.core_type<sc_vector_subcore>, window_params = [{transform_indices = #map}, {transform_indices = #map}, {transform_indices = #map}]} {
    %mul3A = arith.constant 3145728 : i32
    %mul3A_0 = arith.muli %arg0, %mul3A : i32
    %mul3A_1 = arith.constant 196608 : i32
    %mul3A_2 = arith.muli %arg1, %mul3A_1 : i32
    %add3A = arith.addi %mul3A_0, %mul3A_2 : i32
    %broadcast_in_dim3A = arith.constant 0.000000e+00 : f32
    %broadcast_in_dim3A_3 = vector.broadcast %broadcast_in_dim3A : f32 to vector<16xf32>
    %parallel_loop3A = arith.constant 0 : i32
    %parallel_loop3A_4 = arith.constant 192 : i32
    %parallel_loop3A_5 = arith.constant 1 : i32
    scf.for %parallel_loop3A_163 = %parallel_loop3A to %parallel_loop3A_4 step %parallel_loop3A_5  : i32 {
      %parallel_loop3A_164 = arith.constant 16 : i32
      %parallel_loop3A_165 = arith.muli %parallel_loop3A_163, %parallel_loop3A_164 : i32
      %parallel_loop3A_166 = arith.index_cast %parallel_loop3A_165 : i32 to index
      %parallel_loop3A_167 = tpu.vector_load %arg6[%parallel_loop3A_166] {strides = array<i32>} : memref<3072xf32, #tpu.memory_space<vmem>>, vector<16xf32>,
      tpu.vector_store %arg6[%parallel_loop3A_166], %broadcast_in_dim3A_3 {strides = array<i32>} : memref<3072xf32, #tpu.memory_space<vmem>>, vector<16xf32>,
    } {sc.loop_unroll_factor = 8 : i64, sc.parallel_access}
    %broadcast_in_dim3A_6 = arith.constant 1.000000e+00 : f32
    %broadcast_in_dim3A_7 = vector.broadcast %broadcast_in_dim3A_6 : f32 to vector<16xf32>
    %dma_start3A = arith.constant 0 : i32
    %dma_start3A_8 = tpu.memref_slice %arg5[%dma_start3A] : memref<32768xf32, #tpu.memory_space<vmem>> -> memref<16384xf32, #tpu.memory_space<vmem>>
    %dma_start3A_9 = tpu.memref_slice %arg2[%add3A] : memref<6291456xf32, #tpu.memory_space<hbm>> -> memref<16384xf32, #tpu.memory_space<hbm>>
    %dma_start3A_10 = arith.constant 0 : i32
    %dma_start3A_11 = tpu.memref_slice %arg5[%dma_start3A_10] : memref<32768xf32, #tpu.memory_space<vmem>> -> memref<16384xf32, #tpu.memory_space<vmem>>
    %dma_start3A_12 = tpu.memref_slice %arg2[%add3A] : memref<6291456xf32, #tpu.memory_space<hbm>> -> memref<16384xf32, #tpu.memory_space<hbm>>
    tpu.enqueue_dma source(%dma_start3A_12 : memref<16384xf32, #tpu.memory_space<hbm>>) target(%dma_start3A_11 : memref<16384xf32, #tpu.memory_space<vmem>>) target_semaphore(%arg12 : memref<!tpu.dma_semaphore, #tpu.memory_space<semaphore_mem>>)
    %scan3A = arith.constant 0 : i32
    %scan3A_13 = arith.constant 0 : i32
    %scan3A_14 = arith.constant 12 : i32
    %scan3A_15 = arith.addi %scan3A_13, %scan3A_14 : i32
    %scan3A_16 = arith.constant 1 : i32
    scf.for %scan3A_163 = %scan3A_13 to %scan3A_15 step %scan3A_16  : i32 {
      %mul3A_164 = arith.constant 2 : i32
      %mul3A_165 = arith.muli %scan3A_163, %mul3A_164 : i32
      %add3A_166 = arith.constant 0 : i32
      %add3A_167 = arith.addi %mul3A_165, %add3A_166 : i32
      %add3A_168 = arith.constant 1 : i32
      %add3A_169 = arith.addi %add3A_167, %add3A_168 : i32
      %lt3A = arith.constant 24 : i32
      %lt3A_170 = arith.cmpi slt, %add3A_169, %lt3A : i32
      %convert_element_type3A_171 = arith.extui %lt3A_170 : i1 to i32
      %cond3A_172 = arith.constant 0 : i32
      %cond3A_173 = arith.cmpi ne, %convert_element_type3A_171, %cond3A_172 : i32
      scf.if %cond3A_173 {
        %lt3A_281 = arith.constant 12 : i32
        %lt3A_282 = arith.cmpi slt, %add3A_169, %lt3A_281 : i32
        %sub3A_283 = arith.constant 12 : i32
        %sub3A_284 = arith.subi %add3A_169, %sub3A_283 : i32
        %select_n3A_285 = arith.select %lt3A_282, %add3A_169, %sub3A_284 : i32
        %mul3A_286 = arith.constant 16384 : i32
        %mul3A_287 = arith.muli %select_n3A_285, %mul3A_286 : i32
        %add3A_288 = arith.addi %add3A, %mul3A_287 : i32
        %lt3A_289 = arith.constant 12 : i32
        %lt3A_290 = arith.cmpi slt, %add3A_169, %lt3A_289 : i32
        %convert_element_type3A_291 = arith.extui %lt3A_290 : i1 to i32
        %cond3A_292 = arith.constant 0 : i32
        %cond3A_293 = arith.cmpi ne, %convert_element_type3A_291, %cond3A_292 : i32
        scf.if %cond3A_293 {
          %dma_start3A_298 = arith.constant 16384 : i32
          %dma_start3A_299 = tpu.memref_slice %arg5[%dma_start3A_298] : memref<32768xf32, #tpu.memory_space<vmem>> -> memref<16384xf32, #tpu.memory_space<vmem>>
          %dma_start3A_300 = tpu.memref_slice %arg2[%add3A_288] : memref<6291456xf32, #tpu.memory_space<hbm>> -> memref<16384xf32, #tpu.memory_space<hbm>>
          %dma_start3A_301 = arith.constant 16384 : i32
          %dma_start3A_302 = tpu.memref_slice %arg5[%dma_start3A_301] : memref<32768xf32, #tpu.memory_space<vmem>> -> memref<16384xf32, #tpu.memory_space<vmem>>
          %dma_start3A_303 = tpu.memref_slice %arg2[%add3A_288] : memref<6291456xf32, #tpu.memory_space<hbm>> -> memref<16384xf32, #tpu.memory_space<hbm>>
          tpu.enqueue_dma source(%dma_start3A_303 : memref<16384xf32, #tpu.memory_space<hbm>>) target(%dma_start3A_302 : memref<16384xf32, #tpu.memory_space<vmem>>) target_semaphore(%arg13 : memref<!tpu.dma_semaphore, #tpu.memory_space<semaphore_mem>>)
        } else {
        }
        %ge3A = arith.constant 12 : i32
        %ge3A_294 = arith.cmpi sge, %add3A_169, %ge3A : i32
        %convert_element_type3A_295 = arith.extui %ge3A_294 : i1 to i32
        %cond3A_296 = arith.constant 0 : i32
        %cond3A_297 = arith.cmpi ne, %convert_element_type3A_295, %cond3A_296 : i32
        scf.if %cond3A_297 {
          %dma_start3A_298 = arith.constant 16384 : i32
          %dma_start3A_299 = tpu.memref_slice %arg5[%dma_start3A_298] : memref<32768xf32, #tpu.memory_space<vmem>> -> memref<16384xf32, #tpu.memory_space<vmem>>
          %dma_start3A_300 = tpu.memref_slice %arg3[%add3A_288] : memref<6291456xf32, #tpu.memory_space<hbm>> -> memref<16384xf32, #tpu.memory_space<hbm>>
          %dma_start3A_301 = arith.constant 16384 : i32
          %dma_start3A_302 = tpu.memref_slice %arg5[%dma_start3A_301] : memref<32768xf32, #tpu.memory_space<vmem>> -> memref<16384xf32, #tpu.memory_space<vmem>>
          %dma_start3A_303 = tpu.memref_slice %arg3[%add3A_288] : memref<6291456xf32, #tpu.memory_space<hbm>> -> memref<16384xf32, #tpu.memory_space<hbm>>
          tpu.enqueue_dma source(%dma_start3A_303 : memref<16384xf32, #tpu.memory_space<hbm>>) target(%dma_start3A_302 : memref<16384xf32, #tpu.memory_space<vmem>>) target_semaphore(%arg13 : memref<!tpu.dma_semaphore, #tpu.memory_space<semaphore_mem>>)
        } else {
        }
      } else {
      }
      %dma_wait3A_174 = arith.constant 0 : i32
      %dma_wait3A_175 = tpu.memref_slice %arg5[%dma_wait3A_174] : memref<32768xf32, #tpu.memory_space<vmem>> -> memref<16384xf32, #tpu.memory_space<vmem>>
      %dma_wait3A_176 = tpu.memref_slice %arg2[%add3A] : memref<6291456xf32, #tpu.memory_space<hbm>> -> memref<16384xf32, #tpu.memory_space<hbm>>
      %dma_wait3A_177 = arith.constant 0 : i32
      %dma_wait3A_178 = tpu.memref_slice %arg5[%dma_wait3A_177] : memref<32768xf32, #tpu.memory_space<vmem>> -> memref<16384xf32, #tpu.memory_space<vmem>>
      %dma_wait3A_179 = tpu.memref_slice %arg2[%add3A] : memref<6291456xf32, #tpu.memory_space<hbm>> -> memref<16384xf32, #tpu.memory_space<hbm>>
      tpu.wait_dma2 semaphore(%arg12 : memref<!tpu.dma_semaphore, #tpu.memory_space<semaphore_mem>>) src(%dma_wait3A_179 : memref<16384xf32, #tpu.memory_space<hbm>>) dst(%dma_wait3A_178 : memref<16384xf32, #tpu.memory_space<vmem>>)
      %lt3A_180 = arith.constant 12 : i32
      %lt3A_181 = arith.cmpi slt, %add3A_167, %lt3A_180 : i32
      %jit3A = arith.constant 1.000000e+00 : f32
      %jit3A_182 = arith.constant -1.000000e+00 : f32
      %select_n3A = arith.select %lt3A_181, %jit3A, %jit3A_182 : f32
      %mul3A_183 = vector.broadcast %select_n3A : f32 to vector<16xf32>
      %mul3A_184 = arith.mulf %broadcast_in_dim3A_7, %mul3A_183 : vector<16xf32>
      %lt3A_185 = arith.constant 12 : i32
      %lt3A_186 = arith.cmpi slt, %add3A_167, %lt3A_185 : i32
      %sub3A = arith.constant 12 : i32
      %sub3A_187 = arith.subi %add3A_167, %sub3A : i32
      %select_n3A_188 = arith.select %lt3A_186, %add3A_167, %sub3A_187 : i32
      %mul3A_189 = arith.constant 196608 : i32
      %mul3A_190 = arith.muli %arg1, %mul3A_189 : i32
      %mul3A_191 = arith.constant 16384 : i32
      %mul3A_192 = arith.muli %select_n3A_188, %mul3A_191 : i32
      %add3A_193 = arith.addi %mul3A_190, %mul3A_192 : i32
      %jit3A_194 = arith.constant 262144 : i32
      %div3A = arith.divsi %add3A_193, %jit3A_194 : i32
      %sign3A = arith.constant 0 : i32
      %sign3A_195 = arith.cmpi sgt, %add3A_193, %sign3A : i32
      %sign3A_196 = arith.extui %sign3A_195 : i1 to i32
      %sign3A_197 = arith.constant 0 : i32
      %sign3A_198 = arith.cmpi slt, %add3A_193, %sign3A_197 : i32
      %sign3A_199 = arith.extui %sign3A_198 : i1 to i32
      %sign3A_200 = arith.subi %sign3A_196, %sign3A_199 : i32
      %sign3A_201 = arith.constant 0 : i32
      %sign3A_202 = arith.cmpi sgt, %jit3A_194, %sign3A_201 : i32
      %sign3A_203 = arith.extui %sign3A_202 : i1 to i32
      %sign3A_204 = arith.constant 0 : i32
      %sign3A_205 = arith.cmpi slt, %jit3A_194, %sign3A_204 : i32
      %sign3A_206 = arith.extui %sign3A_205 : i1 to i32
      %sign3A_207 = arith.subi %sign3A_203, %sign3A_206 : i32
      %ne3A = arith.cmpi ne, %sign3A_200, %sign3A_207 : i32
      %rem3A = arith.remsi %add3A_193, %jit3A_194 : i32
      %ne3A_208 = arith.constant 0 : i32
      %ne3A_209 = arith.cmpi ne, %rem3A, %ne3A_208 : i32
      %and3A = arith.andi %ne3A, %ne3A_209 : i1
      %sub3A_210 = arith.constant 1 : i32
      %sub3A_211 = arith.subi %div3A, %sub3A_210 : i32
      %select_n3A_212 = arith.select %and3A, %sub3A_211, %div3A : i32
      %mul3A_213 = arith.constant 256 : i32
      %mul3A_214 = arith.muli %select_n3A_212, %mul3A_213 : i32
      %parallel_loop3A_215 = arith.constant 0 : i32
      %parallel_loop3A_216 = arith.constant 1024 : i32
      %parallel_loop3A_217 = arith.constant 1 : i32
      scf.for %parallel_loop3A_281 = %parallel_loop3A_215 to %parallel_loop3A_216 step %parallel_loop3A_217  : i32 {
        %parallel_loop3A_282 = arith.constant 16 : i32
        %parallel_loop3A_283 = arith.muli %parallel_loop3A_281, %parallel_loop3A_282 : i32
        %parallel_loop3A_284 = arith.constant 0 : i32
        %parallel_loop3A_285 = arith.addi %parallel_loop3A_284, %parallel_loop3A_283 : i32
        %parallel_loop3A_286 = arith.index_cast %parallel_loop3A_285 : i32 to index
        %parallel_loop3A_287 = tpu.vector_load %arg5[%parallel_loop3A_286] {strides = array<i32>} : memref<32768xf32, #tpu.memory_space<vmem>>, vector<16xf32>,
        %parallel_loop3A_288 = arith.constant 2.560000e+02 : f32
        %parallel_loop3A_289 = vector.broadcast %parallel_loop3A_288 : f32 to vector<16xf32>
        %parallel_loop3A_290 = arith.mulf %parallel_loop3A_287, %parallel_loop3A_289 : vector<16xf32>
        %parallel_loop3A_291 = arith.constant 0.000000e+00 : f32
        %parallel_loop3A_292 = arith.constant 2.550000e+02 : f32
        %parallel_loop3A_293 = vector.broadcast %parallel_loop3A_291 : f32 to vector<16xf32>
        %parallel_loop3A_294 = arith.maximumf %parallel_loop3A_293, %parallel_loop3A_290 : vector<16xf32>
        %parallel_loop3A_295 = vector.broadcast %parallel_loop3A_292 : f32 to vector<16xf32>
        %parallel_loop3A_296 = arith.minimumf %parallel_loop3A_295, %parallel_loop3A_294 : vector<16xf32>
        %parallel_loop3A_297 = arith.fptosi %parallel_loop3A_296 : vector<16xf32> to vector<16xi32>
        %parallel_loop3A_298 = vector.broadcast %mul3A_214 : i32 to vector<16xi32>
        %parallel_loop3A_299 = arith.addi %parallel_loop3A_297, %parallel_loop3A_298 : vector<16xi32>
        tpu.vector_store_idx %arg6[%parallel_loop3A_299], %mul3A_184 {add = true} : memref<3072xf32, #tpu.memory_space<vmem>>[vector<16xi32>], vector<16xf32>,
      } {sc.loop_unroll_factor = 4 : i64, sc.parallel_access}
      %mul3A_218 = arith.constant 2 : i32
      %mul3A_219 = arith.muli %scan3A_163, %mul3A_218 : i32
      %add3A_220 = arith.constant 1 : i32
      %add3A_221 = arith.addi %mul3A_219, %add3A_220 : i32
      %add3A_222 = arith.constant 1 : i32
      %add3A_223 = arith.addi %add3A_221, %add3A_222 : i32
      %lt3A_224 = arith.constant 24 : i32
      %lt3A_225 = arith.cmpi slt, %add3A_223, %lt3A_224 : i32
      %convert_element_type3A_226 = arith.extui %lt3A_225 : i1 to i32
      %cond3A_227 = arith.constant 0 : i32
      %cond3A_228 = arith.cmpi ne, %convert_element_type3A_226, %cond3A_227 : i32
      scf.if %cond3A_228 {
        %lt3A_281 = arith.constant 12 : i32
        %lt3A_282 = arith.cmpi slt, %add3A_223, %lt3A_281 : i32
        %sub3A_283 = arith.constant 12 : i32
        %sub3A_284 = arith.subi %add3A_223, %sub3A_283 : i32
        %select_n3A_285 = arith.select %lt3A_282, %add3A_223, %sub3A_284 : i32
        %mul3A_286 = arith.constant 16384 : i32
        %mul3A_287 = arith.muli %select_n3A_285, %mul3A_286 : i32
        %add3A_288 = arith.addi %add3A, %mul3A_287 : i32
        %lt3A_289 = arith.constant 12 : i32
        %lt3A_290 = arith.cmpi slt, %add3A_223, %lt3A_289 : i32
        %convert_element_type3A_291 = arith.extui %lt3A_290 : i1 to i32
        %cond3A_292 = arith.constant 0 : i32
        %cond3A_293 = arith.cmpi ne, %convert_element_type3A_291, %cond3A_292 : i32
        scf.if %cond3A_293 {
          %dma_start3A_298 = arith.constant 0 : i32
          %dma_start3A_299 = tpu.memref_slice %arg5[%dma_start3A_298] : memref<32768xf32, #tpu.memory_space<vmem>> -> memref<16384xf32, #tpu.memory_space<vmem>>
          %dma_start3A_300 = tpu.memref_slice %arg2[%add3A_288] : memref<6291456xf32, #tpu.memory_space<hbm>> -> memref<16384xf32, #tpu.memory_space<hbm>>
          %dma_start3A_301 = arith.constant 0 : i32
          %dma_start3A_302 = tpu.memref_slice %arg5[%dma_start3A_301] : memref<32768xf32, #tpu.memory_space<vmem>> -> memref<16384xf32, #tpu.memory_space<vmem>>
          %dma_start3A_303 = tpu.memref_slice %arg2[%add3A_288] : memref<6291456xf32, #tpu.memory_space<hbm>> -> memref<16384xf32, #tpu.memory_space<hbm>>
          tpu.enqueue_dma source(%dma_start3A_303 : memref<16384xf32, #tpu.memory_space<hbm>>) target(%dma_start3A_302 : memref<16384xf32, #tpu.memory_space<vmem>>) target_semaphore(%arg12 : memref<!tpu.dma_semaphore, #tpu.memory_space<semaphore_mem>>)
        } else {
        }
        %ge3A = arith.constant 12 : i32
        %ge3A_294 = arith.cmpi sge, %add3A_223, %ge3A : i32
        %convert_element_type3A_295 = arith.extui %ge3A_294 : i1 to i32
        %cond3A_296 = arith.constant 0 : i32
        %cond3A_297 = arith.cmpi ne, %convert_element_type3A_295, %cond3A_296 : i32
        scf.if %cond3A_297 {
          %dma_start3A_298 = arith.constant 0 : i32
          %dma_start3A_299 = tpu.memref_slice %arg5[%dma_start3A_298] : memref<32768xf32, #tpu.memory_space<vmem>> -> memref<16384xf32, #tpu.memory_space<vmem>>
          %dma_start3A_300 = tpu.memref_slice %arg3[%add3A_288] : memref<6291456xf32, #tpu.memory_space<hbm>> -> memref<16384xf32, #tpu.memory_space<hbm>>
          %dma_start3A_301 = arith.constant 0 : i32
          %dma_start3A_302 = tpu.memref_slice %arg5[%dma_start3A_301] : memref<32768xf32, #tpu.memory_space<vmem>> -> memref<16384xf32, #tpu.memory_space<vmem>>
          %dma_start3A_303 = tpu.memref_slice %arg3[%add3A_288] : memref<6291456xf32, #tpu.memory_space<hbm>> -> memref<16384xf32, #tpu.memory_space<hbm>>
          tpu.enqueue_dma source(%dma_start3A_303 : memref<16384xf32, #tpu.memory_space<hbm>>) target(%dma_start3A_302 : memref<16384xf32, #tpu.memory_space<vmem>>) target_semaphore(%arg12 : memref<!tpu.dma_semaphore, #tpu.memory_space<semaphore_mem>>)
        } else {
        }
      } else {
      }
      %dma_wait3A_229 = arith.constant 16384 : i32
      %dma_wait3A_230 = tpu.memref_slice %arg5[%dma_wait3A_229] : memref<32768xf32, #tpu.memory_space<vmem>> -> memref<16384xf32, #tpu.memory_space<vmem>>
      %dma_wait3A_231 = tpu.memref_slice %arg2[%add3A] : memref<6291456xf32, #tpu.memory_space<hbm>> -> memref<16384xf32, #tpu.memory_space<hbm>>
      %dma_wait3A_232 = arith.constant 16384 : i32
      %dma_wait3A_233 = tpu.memref_slice %arg5[%dma_wait3A_232] : memref<32768xf32, #tpu.memory_space<vmem>> -> memref<16384xf32, #tpu.memory_space<vmem>>
      %dma_wait3A_234 = tpu.memref_slice %arg2[%add3A] : memref<6291456xf32, #tpu.memory_space<hbm>> -> memref<16384xf32, #tpu.memory_space<hbm>>
      tpu.wait_dma2 semaphore(%arg13 : memref<!tpu.dma_semaphore, #tpu.memory_space<semaphore_mem>>) src(%dma_wait3A_234 : memref<16384xf32, #tpu.memory_space<hbm>>) dst(%dma_wait3A_233 : memref<16384xf32, #tpu.memory_space<vmem>>)
      %lt3A_235 = arith.constant 12 : i32
      %lt3A_236 = arith.cmpi slt, %add3A_221, %lt3A_235 : i32
      %jit3A_237 = arith.constant 1.000000e+00 : f32
      %jit3A_238 = arith.constant -1.000000e+00 : f32
      %select_n3A_239 = arith.select %lt3A_236, %jit3A_237, %jit3A_238 : f32
      %mul3A_240 = vector.broadcast %select_n3A_239 : f32 to vector<16xf32>
      %mul3A_241 = arith.mulf %broadcast_in_dim3A_7, %mul3A_240 : vector<16xf32>
      %lt3A_242 = arith.constant 12 : i32
      %lt3A_243 = arith.cmpi slt, %add3A_221, %lt3A_242 : i32
      %sub3A_244 = arith.constant 12 : i32
      %sub3A_245 = arith.subi %add3A_221, %sub3A_244 : i32
      %select_n3A_246 = arith.select %lt3A_243, %add3A_221, %sub3A_245 : i32
      %mul3A_247 = arith.constant 196608 : i32
      %mul3A_248 = arith.muli %arg1, %mul3A_247 : i32
      %mul3A_249 = arith.constant 16384 : i32
      %mul3A_250 = arith.muli %select_n3A_246, %mul3A_249 : i32
      %add3A_251 = arith.addi %mul3A_248, %mul3A_250 : i32
      %jit3A_252 = arith.constant 262144 : i32
      %div3A_253 = arith.divsi %add3A_251, %jit3A_252 : i32
      %sign3A_254 = arith.constant 0 : i32
      %sign3A_255 = arith.cmpi sgt, %add3A_251, %sign3A_254 : i32
      %sign3A_256 = arith.extui %sign3A_255 : i1 to i32
      %sign3A_257 = arith.constant 0 : i32
      %sign3A_258 = arith.cmpi slt, %add3A_251, %sign3A_257 : i32
      %sign3A_259 = arith.extui %sign3A_258 : i1 to i32
      %sign3A_260 = arith.subi %sign3A_256, %sign3A_259 : i32
      %sign3A_261 = arith.constant 0 : i32
      %sign3A_262 = arith.cmpi sgt, %jit3A_252, %sign3A_261 : i32
      %sign3A_263 = arith.extui %sign3A_262 : i1 to i32
      %sign3A_264 = arith.constant 0 : i32
      %sign3A_265 = arith.cmpi slt, %jit3A_252, %sign3A_264 : i32
      %sign3A_266 = arith.extui %sign3A_265 : i1 to i32
      %sign3A_267 = arith.subi %sign3A_263, %sign3A_266 : i32
      %ne3A_268 = arith.cmpi ne, %sign3A_260, %sign3A_267 : i32
      %rem3A_269 = arith.remsi %add3A_251, %jit3A_252 : i32
      %ne3A_270 = arith.constant 0 : i32
      %ne3A_271 = arith.cmpi ne, %rem3A_269, %ne3A_270 : i32
      %and3A_272 = arith.andi %ne3A_268, %ne3A_271 : i1
      %sub3A_273 = arith.constant 1 : i32
      %sub3A_274 = arith.subi %div3A_253, %sub3A_273 : i32
      %select_n3A_275 = arith.select %and3A_272, %sub3A_274, %div3A_253 : i32
      %mul3A_276 = arith.constant 256 : i32
      %mul3A_277 = arith.muli %select_n3A_275, %mul3A_276 : i32
      %parallel_loop3A_278 = arith.constant 0 : i32
      %parallel_loop3A_279 = arith.constant 1024 : i32
      %parallel_loop3A_280 = arith.constant 1 : i32
      scf.for %parallel_loop3A_281 = %parallel_loop3A_278 to %parallel_loop3A_279 step %parallel_loop3A_280  : i32 {
        %parallel_loop3A_282 = arith.constant 16 : i32
        %parallel_loop3A_283 = arith.muli %parallel_loop3A_281, %parallel_loop3A_282 : i32
        %parallel_loop3A_284 = arith.constant 16384 : i32
        %parallel_loop3A_285 = arith.addi %parallel_loop3A_284, %parallel_loop3A_283 : i32
        %parallel_loop3A_286 = arith.index_cast %parallel_loop3A_285 : i32 to index
        %parallel_loop3A_287 = tpu.vector_load %arg5[%parallel_loop3A_286] {strides = array<i32>} : memref<32768xf32, #tpu.memory_space<vmem>>, vector<16xf32>,
        %parallel_loop3A_288 = arith.constant 2.560000e+02 : f32
        %parallel_loop3A_289 = vector.broadcast %parallel_loop3A_288 : f32 to vector<16xf32>
        %parallel_loop3A_290 = arith.mulf %parallel_loop3A_287, %parallel_loop3A_289 : vector<16xf32>
        %parallel_loop3A_291 = arith.constant 0.000000e+00 : f32
        %parallel_loop3A_292 = arith.constant 2.550000e+02 : f32
        %parallel_loop3A_293 = vector.broadcast %parallel_loop3A_291 : f32 to vector<16xf32>
        %parallel_loop3A_294 = arith.maximumf %parallel_loop3A_293, %parallel_loop3A_290 : vector<16xf32>
        %parallel_loop3A_295 = vector.broadcast %parallel_loop3A_292 : f32 to vector<16xf32>
        %parallel_loop3A_296 = arith.minimumf %parallel_loop3A_295, %parallel_loop3A_294 : vector<16xf32>
        %parallel_loop3A_297 = arith.fptosi %parallel_loop3A_296 : vector<16xf32> to vector<16xi32>
        %parallel_loop3A_298 = vector.broadcast %mul3A_277 : i32 to vector<16xi32>
        %parallel_loop3A_299 = arith.addi %parallel_loop3A_297, %parallel_loop3A_298 : vector<16xi32>
        tpu.vector_store_idx %arg6[%parallel_loop3A_299], %mul3A_241 {add = true} : memref<3072xf32, #tpu.memory_space<vmem>>[vector<16xi32>], vector<16xf32>,
      } {sc.loop_unroll_factor = 4 : i64, sc.parallel_access}
    }
    %scan3A_17 = arith.constant 12 : i32
    %mul3A_18 = arith.constant 3072 : i32
    %mul3A_19 = arith.muli %arg1, %mul3A_18 : i32
    "tpu.region"() ({
      %run_scoped3A = tpu.sem_alloc : memref<!tpu.dma_semaphore, #tpu.memory_space<semaphore_mem>>
      %dma_start3A_163 = tpu.memref_slice %arg10[%mul3A_19] : memref<49152xf32, #tpu.memory_space<vmem_shared>> -> memref<3072xf32, #tpu.memory_space<vmem_shared>>
      %dma_start3A_164 = tpu.memref_slice %arg10[%mul3A_19] : memref<49152xf32, #tpu.memory_space<vmem_shared>> -> memref<3072xf32, #tpu.memory_space<vmem_shared>>
      tpu.enqueue_dma source(%arg6 : memref<3072xf32, #tpu.memory_space<vmem>>) target(%dma_start3A_164 : memref<3072xf32, #tpu.memory_space<vmem_shared>>) target_semaphore(%run_scoped3A : memref<!tpu.dma_semaphore, #tpu.memory_space<semaphore_mem>>)
      %dma_wait3A_165 = tpu.memref_slice %arg10[%mul3A_19] : memref<49152xf32, #tpu.memory_space<vmem_shared>> -> memref<3072xf32, #tpu.memory_space<vmem_shared>>
      %dma_wait3A_166 = tpu.memref_slice %arg10[%mul3A_19] : memref<49152xf32, #tpu.memory_space<vmem_shared>> -> memref<3072xf32, #tpu.memory_space<vmem_shared>>
      tpu.wait_dma2 semaphore(%run_scoped3A : memref<!tpu.dma_semaphore, #tpu.memory_space<semaphore_mem>>) src(%arg6 : memref<3072xf32, #tpu.memory_space<vmem>>) dst(%dma_wait3A_166 : memref<3072xf32, #tpu.memory_space<vmem_shared>>)
      tpu.yield
    }) : () -> ()
    %barrier3A = arith.constant 0 : index
    tpu.barrier barrier_id(%barrier3A)
    %mul3A_20 = arith.constant 192 : i32
    %mul3A_21 = arith.muli %arg1, %mul3A_20 : i32
    %add3A_22 = arith.constant 0 : i32
    %add3A_23 = arith.addi %add3A_22, %mul3A_21 : i32
    %dma_start3A_24 = arith.constant 0 : i32
    %dma_start3A_25 = tpu.memref_slice %arg7[%dma_start3A_24] : memref<3072xf32, #tpu.memory_space<vmem>> -> memref<192xf32, #tpu.memory_space<vmem>>
    %dma_start3A_26 = tpu.memref_slice %arg10[%add3A_23] : memref<49152xf32, #tpu.memory_space<vmem_shared>> -> memref<192xf32, #tpu.memory_space<vmem_shared>>
    %dma_start3A_27 = arith.constant 0 : i32
    %dma_start3A_28 = tpu.memref_slice %arg7[%dma_start3A_27] : memref<3072xf32, #tpu.memory_space<vmem>> -> memref<192xf32, #tpu.memory_space<vmem>>
    %dma_start3A_29 = tpu.memref_slice %arg10[%add3A_23] : memref<49152xf32, #tpu.memory_space<vmem_shared>> -> memref<192xf32, #tpu.memory_space<vmem_shared>>
    tpu.enqueue_dma source(%dma_start3A_29 : memref<192xf32, #tpu.memory_space<vmem_shared>>) target(%dma_start3A_28 : memref<192xf32, #tpu.memory_space<vmem>>) target_semaphore(%arg12 : memref<!tpu.dma_semaphore, #tpu.memory_space<semaphore_mem>>)
    %add3A_30 = arith.constant 3072 : i32
    %add3A_31 = arith.addi %add3A_30, %mul3A_21 : i32
    %dma_start3A_32 = arith.constant 192 : i32
    %dma_start3A_33 = tpu.memref_slice %arg7[%dma_start3A_32] : memref<3072xf32, #tpu.memory_space<vmem>> -> memref<192xf32, #tpu.memory_space<vmem>>
    %dma_start3A_34 = tpu.memref_slice %arg10[%add3A_31] : memref<49152xf32, #tpu.memory_space<vmem_shared>> -> memref<192xf32, #tpu.memory_space<vmem_shared>>
    %dma_start3A_35 = arith.constant 192 : i32
    %dma_start3A_36 = tpu.memref_slice %arg7[%dma_start3A_35] : memref<3072xf32, #tpu.memory_space<vmem>> -> memref<192xf32, #tpu.memory_space<vmem>>
    %dma_start3A_37 = tpu.memref_slice %arg10[%add3A_31] : memref<49152xf32, #tpu.memory_space<vmem_shared>> -> memref<192xf32, #tpu.memory_space<vmem_shared>>
    tpu.enqueue_dma source(%dma_start3A_37 : memref<192xf32, #tpu.memory_space<vmem_shared>>) target(%dma_start3A_36 : memref<192xf32, #tpu.memory_space<vmem>>) target_semaphore(%arg12 : memref<!tpu.dma_semaphore, #tpu.memory_space<semaphore_mem>>)
    %add3A_38 = arith.constant 6144 : i32
    %add3A_39 = arith.addi %add3A_38, %mul3A_21 : i32
    %dma_start3A_40 = arith.constant 384 : i32
    %dma_start3A_41 = tpu.memref_slice %arg7[%dma_start3A_40] : memref<3072xf32, #tpu.memory_space<vmem>> -> memref<192xf32, #tpu.memory_space<vmem>>
    %dma_start3A_42 = tpu.memref_slice %arg10[%add3A_39] : memref<49152xf32, #tpu.memory_space<vmem_shared>> -> memref<192xf32, #tpu.memory_space<vmem_shared>>
    %dma_start3A_43 = arith.constant 384 : i32
    %dma_start3A_44 = tpu.memref_slice %arg7[%dma_start3A_43] : memref<3072xf32, #tpu.memory_space<vmem>> -> memref<192xf32, #tpu.memory_space<vmem>>
    %dma_start3A_45 = tpu.memref_slice %arg10[%add3A_39] : memref<49152xf32, #tpu.memory_space<vmem_shared>> -> memref<192xf32, #tpu.memory_space<vmem_shared>>
    tpu.enqueue_dma source(%dma_start3A_45 : memref<192xf32, #tpu.memory_space<vmem_shared>>) target(%dma_start3A_44 : memref<192xf32, #tpu.memory_space<vmem>>) target_semaphore(%arg12 : memref<!tpu.dma_semaphore, #tpu.memory_space<semaphore_mem>>)
    %add3A_46 = arith.constant 9216 : i32
    %add3A_47 = arith.addi %add3A_46, %mul3A_21 : i32
    %dma_start3A_48 = arith.constant 576 : i32
    %dma_start3A_49 = tpu.memref_slice %arg7[%dma_start3A_48] : memref<3072xf32, #tpu.memory_space<vmem>> -> memref<192xf32, #tpu.memory_space<vmem>>
    %dma_start3A_50 = tpu.memref_slice %arg10[%add3A_47] : memref<49152xf32, #tpu.memory_space<vmem_shared>> -> memref<192xf32, #tpu.memory_space<vmem_shared>>
    %dma_start3A_51 = arith.constant 576 : i32
    %dma_start3A_52 = tpu.memref_slice %arg7[%dma_start3A_51] : memref<3072xf32, #tpu.memory_space<vmem>> -> memref<192xf32, #tpu.memory_space<vmem>>
    %dma_start3A_53 = tpu.memref_slice %arg10[%add3A_47] : memref<49152xf32, #tpu.memory_space<vmem_shared>> -> memref<192xf32, #tpu.memory_space<vmem_shared>>
    tpu.enqueue_dma source(%dma_start3A_53 : memref<192xf32, #tpu.memory_space<vmem_shared>>) target(%dma_start3A_52 : memref<192xf32, #tpu.memory_space<vmem>>) target_semaphore(%arg12 : memref<!tpu.dma_semaphore, #tpu.memory_space<semaphore_mem>>)
    %add3A_54 = arith.constant 12288 : i32
    %add3A_55 = arith.addi %add3A_54, %mul3A_21 : i32
    %dma_start3A_56 = arith.constant 768 : i32
    %dma_start3A_57 = tpu.memref_slice %arg7[%dma_start3A_56] : memref<3072xf32, #tpu.memory_space<vmem>> -> memref<192xf32, #tpu.memory_space<vmem>>
    %dma_start3A_58 = tpu.memref_slice %arg10[%add3A_55] : memref<49152xf32, #tpu.memory_space<vmem_shared>> -> memref<192xf32, #tpu.memory_space<vmem_shared>>
    %dma_start3A_59 = arith.constant 768 : i32
    %dma_start3A_60 = tpu.memref_slice %arg7[%dma_start3A_59] : memref<3072xf32, #tpu.memory_space<vmem>> -> memref<192xf32, #tpu.memory_space<vmem>>
    %dma_start3A_61 = tpu.memref_slice %arg10[%add3A_55] : memref<49152xf32, #tpu.memory_space<vmem_shared>> -> memref<192xf32, #tpu.memory_space<vmem_shared>>
    tpu.enqueue_dma source(%dma_start3A_61 : memref<192xf32, #tpu.memory_space<vmem_shared>>) target(%dma_start3A_60 : memref<192xf32, #tpu.memory_space<vmem>>) target_semaphore(%arg12 : memref<!tpu.dma_semaphore, #tpu.memory_space<semaphore_mem>>)
    %add3A_62 = arith.constant 15360 : i32
    %add3A_63 = arith.addi %add3A_62, %mul3A_21 : i32
    %dma_start3A_64 = arith.constant 960 : i32
    %dma_start3A_65 = tpu.memref_slice %arg7[%dma_start3A_64] : memref<3072xf32, #tpu.memory_space<vmem>> -> memref<192xf32, #tpu.memory_space<vmem>>
    %dma_start3A_66 = tpu.memref_slice %arg10[%add3A_63] : memref<49152xf32, #tpu.memory_space<vmem_shared>> -> memref<192xf32, #tpu.memory_space<vmem_shared>>
    %dma_start3A_67 = arith.constant 960 : i32
    %dma_start3A_68 = tpu.memref_slice %arg7[%dma_start3A_67] : memref<3072xf32, #tpu.memory_space<vmem>> -> memref<192xf32, #tpu.memory_space<vmem>>
    %dma_start3A_69 = tpu.memref_slice %arg10[%add3A_63] : memref<49152xf32, #tpu.memory_space<vmem_shared>> -> memref<192xf32, #tpu.memory_space<vmem_shared>>
    tpu.enqueue_dma source(%dma_start3A_69 : memref<192xf32, #tpu.memory_space<vmem_shared>>) target(%dma_start3A_68 : memref<192xf32, #tpu.memory_space<vmem>>) target_semaphore(%arg12 : memref<!tpu.dma_semaphore, #tpu.memory_space<semaphore_mem>>)
    %add3A_70 = arith.constant 18432 : i32
    %add3A_71 = arith.addi %add3A_70, %mul3A_21 : i32
    %dma_start3A_72 = arith.constant 1152 : i32
    %dma_start3A_73 = tpu.memref_slice %arg7[%dma_start3A_72] : memref<3072xf32, #tpu.memory_space<vmem>> -> memref<192xf32, #tpu.memory_space<vmem>>
    %dma_start3A_74 = tpu.memref_slice %arg10[%add3A_71] : memref<49152xf32, #tpu.memory_space<vmem_shared>> -> memref<192xf32, #tpu.memory_space<vmem_shared>>
    %dma_start3A_75 = arith.constant 1152 : i32
    %dma_start3A_76 = tpu.memref_slice %arg7[%dma_start3A_75] : memref<3072xf32, #tpu.memory_space<vmem>> -> memref<192xf32, #tpu.memory_space<vmem>>
    %dma_start3A_77 = tpu.memref_slice %arg10[%add3A_71] : memref<49152xf32, #tpu.memory_space<vmem_shared>> -> memref<192xf32, #tpu.memory_space<vmem_shared>>
    tpu.enqueue_dma source(%dma_start3A_77 : memref<192xf32, #tpu.memory_space<vmem_shared>>) target(%dma_start3A_76 : memref<192xf32, #tpu.memory_space<vmem>>) target_semaphore(%arg12 : memref<!tpu.dma_semaphore, #tpu.memory_space<semaphore_mem>>)
    %add3A_78 = arith.constant 21504 : i32
    %add3A_79 = arith.addi %add3A_78, %mul3A_21 : i32
    %dma_start3A_80 = arith.constant 1344 : i32
    %dma_start3A_81 = tpu.memref_slice %arg7[%dma_start3A_80] : memref<3072xf32, #tpu.memory_space<vmem>> -> memref<192xf32, #tpu.memory_space<vmem>>
    %dma_start3A_82 = tpu.memref_slice %arg10[%add3A_79] : memref<49152xf32, #tpu.memory_space<vmem_shared>> -> memref<192xf32, #tpu.memory_space<vmem_shared>>
    %dma_start3A_83 = arith.constant 1344 : i32
    %dma_start3A_84 = tpu.memref_slice %arg7[%dma_start3A_83] : memref<3072xf32, #tpu.memory_space<vmem>> -> memref<192xf32, #tpu.memory_space<vmem>>
    %dma_start3A_85 = tpu.memref_slice %arg10[%add3A_79] : memref<49152xf32, #tpu.memory_space<vmem_shared>> -> memref<192xf32, #tpu.memory_space<vmem_shared>>
    tpu.enqueue_dma source(%dma_start3A_85 : memref<192xf32, #tpu.memory_space<vmem_shared>>) target(%dma_start3A_84 : memref<192xf32, #tpu.memory_space<vmem>>) target_semaphore(%arg12 : memref<!tpu.dma_semaphore, #tpu.memory_space<semaphore_mem>>)
    %add3A_86 = arith.constant 24576 : i32
    %add3A_87 = arith.addi %add3A_86, %mul3A_21 : i32
    %dma_start3A_88 = arith.constant 1536 : i32
    %dma_start3A_89 = tpu.memref_slice %arg7[%dma_start3A_88] : memref<3072xf32, #tpu.memory_space<vmem>> -> memref<192xf32, #tpu.memory_space<vmem>>
    %dma_start3A_90 = tpu.memref_slice %arg10[%add3A_87] : memref<49152xf32, #tpu.memory_space<vmem_shared>> -> memref<192xf32, #tpu.memory_space<vmem_shared>>
    %dma_start3A_91 = arith.constant 1536 : i32
    %dma_start3A_92 = tpu.memref_slice %arg7[%dma_start3A_91] : memref<3072xf32, #tpu.memory_space<vmem>> -> memref<192xf32, #tpu.memory_space<vmem>>
    %dma_start3A_93 = tpu.memref_slice %arg10[%add3A_87] : memref<49152xf32, #tpu.memory_space<vmem_shared>> -> memref<192xf32, #tpu.memory_space<vmem_shared>>
    tpu.enqueue_dma source(%dma_start3A_93 : memref<192xf32, #tpu.memory_space<vmem_shared>>) target(%dma_start3A_92 : memref<192xf32, #tpu.memory_space<vmem>>) target_semaphore(%arg12 : memref<!tpu.dma_semaphore, #tpu.memory_space<semaphore_mem>>)
    %add3A_94 = arith.constant 27648 : i32
    %add3A_95 = arith.addi %add3A_94, %mul3A_21 : i32
    %dma_start3A_96 = arith.constant 1728 : i32
    %dma_start3A_97 = tpu.memref_slice %arg7[%dma_start3A_96] : memref<3072xf32, #tpu.memory_space<vmem>> -> memref<192xf32, #tpu.memory_space<vmem>>
    %dma_start3A_98 = tpu.memref_slice %arg10[%add3A_95] : memref<49152xf32, #tpu.memory_space<vmem_shared>> -> memref<192xf32, #tpu.memory_space<vmem_shared>>
    %dma_start3A_99 = arith.constant 1728 : i32
    %dma_start3A_100 = tpu.memref_slice %arg7[%dma_start3A_99] : memref<3072xf32, #tpu.memory_space<vmem>> -> memref<192xf32, #tpu.memory_space<vmem>>
    %dma_start3A_101 = tpu.memref_slice %arg10[%add3A_95] : memref<49152xf32, #tpu.memory_space<vmem_shared>> -> memref<192xf32, #tpu.memory_space<vmem_shared>>
    tpu.enqueue_dma source(%dma_start3A_101 : memref<192xf32, #tpu.memory_space<vmem_shared>>) target(%dma_start3A_100 : memref<192xf32, #tpu.memory_space<vmem>>) target_semaphore(%arg12 : memref<!tpu.dma_semaphore, #tpu.memory_space<semaphore_mem>>)
    %add3A_102 = arith.constant 30720 : i32
    %add3A_103 = arith.addi %add3A_102, %mul3A_21 : i32
    %dma_start3A_104 = arith.constant 1920 : i32
    %dma_start3A_105 = tpu.memref_slice %arg7[%dma_start3A_104] : memref<3072xf32, #tpu.memory_space<vmem>> -> memref<192xf32, #tpu.memory_space<vmem>>
    %dma_start3A_106 = tpu.memref_slice %arg10[%add3A_103] : memref<49152xf32, #tpu.memory_space<vmem_shared>> -> memref<192xf32, #tpu.memory_space<vmem_shared>>
    %dma_start3A_107 = arith.constant 1920 : i32
    %dma_start3A_108 = tpu.memref_slice %arg7[%dma_start3A_107] : memref<3072xf32, #tpu.memory_space<vmem>> -> memref<192xf32, #tpu.memory_space<vmem>>
    %dma_start3A_109 = tpu.memref_slice %arg10[%add3A_103] : memref<49152xf32, #tpu.memory_space<vmem_shared>> -> memref<192xf32, #tpu.memory_space<vmem_shared>>
    tpu.enqueue_dma source(%dma_start3A_109 : memref<192xf32, #tpu.memory_space<vmem_shared>>) target(%dma_start3A_108 : memref<192xf32, #tpu.memory_space<vmem>>) target_semaphore(%arg12 : memref<!tpu.dma_semaphore, #tpu.memory_space<semaphore_mem>>)
    %add3A_110 = arith.constant 33792 : i32
    %add3A_111 = arith.addi %add3A_110, %mul3A_21 : i32
    %dma_start3A_112 = arith.constant 2112 : i32
    %dma_start3A_113 = tpu.memref_slice %arg7[%dma_start3A_112] : memref<3072xf32, #tpu.memory_space<vmem>> -> memref<192xf32, #tpu.memory_space<vmem>>
    %dma_start3A_114 = tpu.memref_slice %arg10[%add3A_111] : memref<49152xf32, #tpu.memory_space<vmem_shared>> -> memref<192xf32, #tpu.memory_space<vmem_shared>>
    %dma_start3A_115 = arith.constant 2112 : i32
    %dma_start3A_116 = tpu.memref_slice %arg7[%dma_start3A_115] : memref<3072xf32, #tpu.memory_space<vmem>> -> memref<192xf32, #tpu.memory_space<vmem>>
    %dma_start3A_117 = tpu.memref_slice %arg10[%add3A_111] : memref<49152xf32, #tpu.memory_space<vmem_shared>> -> memref<192xf32, #tpu.memory_space<vmem_shared>>
    tpu.enqueue_dma source(%dma_start3A_117 : memref<192xf32, #tpu.memory_space<vmem_shared>>) target(%dma_start3A_116 : memref<192xf32, #tpu.memory_space<vmem>>) target_semaphore(%arg12 : memref<!tpu.dma_semaphore, #tpu.memory_space<semaphore_mem>>)
    %add3A_118 = arith.constant 36864 : i32
    %add3A_119 = arith.addi %add3A_118, %mul3A_21 : i32
    %dma_start3A_120 = arith.constant 2304 : i32
    %dma_start3A_121 = tpu.memref_slice %arg7[%dma_start3A_120] : memref<3072xf32, #tpu.memory_space<vmem>> -> memref<192xf32, #tpu.memory_space<vmem>>
    %dma_start3A_122 = tpu.memref_slice %arg10[%add3A_119] : memref<49152xf32, #tpu.memory_space<vmem_shared>> -> memref<192xf32, #tpu.memory_space<vmem_shared>>
    %dma_start3A_123 = arith.constant 2304 : i32
    %dma_start3A_124 = tpu.memref_slice %arg7[%dma_start3A_123] : memref<3072xf32, #tpu.memory_space<vmem>> -> memref<192xf32, #tpu.memory_space<vmem>>
    %dma_start3A_125 = tpu.memref_slice %arg10[%add3A_119] : memref<49152xf32, #tpu.memory_space<vmem_shared>> -> memref<192xf32, #tpu.memory_space<vmem_shared>>
    tpu.enqueue_dma source(%dma_start3A_125 : memref<192xf32, #tpu.memory_space<vmem_shared>>) target(%dma_start3A_124 : memref<192xf32, #tpu.memory_space<vmem>>) target_semaphore(%arg12 : memref<!tpu.dma_semaphore, #tpu.memory_space<semaphore_mem>>)
    %add3A_126 = arith.constant 39936 : i32
    %add3A_127 = arith.addi %add3A_126, %mul3A_21 : i32
    %dma_start3A_128 = arith.constant 2496 : i32
    %dma_start3A_129 = tpu.memref_slice %arg7[%dma_start3A_128] : memref<3072xf32, #tpu.memory_space<vmem>> -> memref<192xf32, #tpu.memory_space<vmem>>
    %dma_start3A_130 = tpu.memref_slice %arg10[%add3A_127] : memref<49152xf32, #tpu.memory_space<vmem_shared>> -> memref<192xf32, #tpu.memory_space<vmem_shared>>
    %dma_start3A_131 = arith.constant 2496 : i32
    %dma_start3A_132 = tpu.memref_slice %arg7[%dma_start3A_131] : memref<3072xf32, #tpu.memory_space<vmem>> -> memref<192xf32, #tpu.memory_space<vmem>>
    %dma_start3A_133 = tpu.memref_slice %arg10[%add3A_127] : memref<49152xf32, #tpu.memory_space<vmem_shared>> -> memref<192xf32, #tpu.memory_space<vmem_shared>>
    tpu.enqueue_dma source(%dma_start3A_133 : memref<192xf32, #tpu.memory_space<vmem_shared>>) target(%dma_start3A_132 : memref<192xf32, #tpu.memory_space<vmem>>) target_semaphore(%arg12 : memref<!tpu.dma_semaphore, #tpu.memory_space<semaphore_mem>>)
    %add3A_134 = arith.constant 43008 : i32
    %add3A_135 = arith.addi %add3A_134, %mul3A_21 : i32
    %dma_start3A_136 = arith.constant 2688 : i32
    %dma_start3A_137 = tpu.memref_slice %arg7[%dma_start3A_136] : memref<3072xf32, #tpu.memory_space<vmem>> -> memref<192xf32, #tpu.memory_space<vmem>>
    %dma_start3A_138 = tpu.memref_slice %arg10[%add3A_135] : memref<49152xf32, #tpu.memory_space<vmem_shared>> -> memref<192xf32, #tpu.memory_space<vmem_shared>>
    %dma_start3A_139 = arith.constant 2688 : i32
    %dma_start3A_140 = tpu.memref_slice %arg7[%dma_start3A_139] : memref<3072xf32, #tpu.memory_space<vmem>> -> memref<192xf32, #tpu.memory_space<vmem>>
    %dma_start3A_141 = tpu.memref_slice %arg10[%add3A_135] : memref<49152xf32, #tpu.memory_space<vmem_shared>> -> memref<192xf32, #tpu.memory_space<vmem_shared>>
    tpu.enqueue_dma source(%dma_start3A_141 : memref<192xf32, #tpu.memory_space<vmem_shared>>) target(%dma_start3A_140 : memref<192xf32, #tpu.memory_space<vmem>>) target_semaphore(%arg12 : memref<!tpu.dma_semaphore, #tpu.memory_space<semaphore_mem>>)
    %add3A_142 = arith.constant 46080 : i32
    %add3A_143 = arith.addi %add3A_142, %mul3A_21 : i32
    %dma_start3A_144 = arith.constant 2880 : i32
    %dma_start3A_145 = tpu.memref_slice %arg7[%dma_start3A_144] : memref<3072xf32, #tpu.memory_space<vmem>> -> memref<192xf32, #tpu.memory_space<vmem>>
    %dma_start3A_146 = tpu.memref_slice %arg10[%add3A_143] : memref<49152xf32, #tpu.memory_space<vmem_shared>> -> memref<192xf32, #tpu.memory_space<vmem_shared>>
    %dma_start3A_147 = arith.constant 2880 : i32
    %dma_start3A_148 = tpu.memref_slice %arg7[%dma_start3A_147] : memref<3072xf32, #tpu.memory_space<vmem>> -> memref<192xf32, #tpu.memory_space<vmem>>
    %dma_start3A_149 = tpu.memref_slice %arg10[%add3A_143] : memref<49152xf32, #tpu.memory_space<vmem_shared>> -> memref<192xf32, #tpu.memory_space<vmem_shared>>
    tpu.enqueue_dma source(%dma_start3A_149 : memref<192xf32, #tpu.memory_space<vmem_shared>>) target(%dma_start3A_148 : memref<192xf32, #tpu.memory_space<vmem>>) target_semaphore(%arg12 : memref<!tpu.dma_semaphore, #tpu.memory_space<semaphore_mem>>)
    %dma_wait3A = arith.constant 0 : i32
    %dma_wait3A_150 = tpu.memref_slice %arg10[%dma_wait3A] : memref<49152xf32, #tpu.memory_space<vmem_shared>> -> memref<3072xf32, #tpu.memory_space<vmem_shared>>
    %dma_wait3A_151 = arith.constant 0 : i32
    %dma_wait3A_152 = tpu.memref_slice %arg10[%dma_wait3A_151] : memref<49152xf32, #tpu.memory_space<vmem_shared>> -> memref<3072xf32, #tpu.memory_space<vmem_shared>>
    tpu.wait_dma2 semaphore(%arg12 : memref<!tpu.dma_semaphore, #tpu.memory_space<semaphore_mem>>) src(%dma_wait3A_152 : memref<3072xf32, #tpu.memory_space<vmem_shared>>) dst(%arg7 : memref<3072xf32, #tpu.memory_space<vmem>>)
    %parallel_loop3A_153 = arith.constant 0 : i32
    %parallel_loop3A_154 = arith.constant 12 : i32
    %parallel_loop3A_155 = arith.constant 1 : i32
    %parallel_loop3A_156 = scf.for %parallel_loop3A_163 = %parallel_loop3A_153 to %parallel_loop3A_154 step %parallel_loop3A_155 iter_args(%parallel_loop3A_164 = %broadcast_in_dim3A_3) -> (vector<16xf32>)  : i32 {
      %parallel_loop3A_165 = arith.constant 16 : i32
      %parallel_loop3A_166 = arith.muli %parallel_loop3A_163, %parallel_loop3A_165 : i32
      %parallel_loop3A_167 = arith.index_cast %parallel_loop3A_166 : i32 to index
      %parallel_loop3A_168 = tpu.vector_load %arg7[%parallel_loop3A_167] {strides = array<i32>} : memref<3072xf32, #tpu.memory_space<vmem>>, vector<16xf32>,
      %parallel_loop3A_169 = arith.constant 16 : i32
      %parallel_loop3A_170 = arith.muli %parallel_loop3A_163, %parallel_loop3A_169 : i32
      %parallel_loop3A_171 = arith.constant 192 : i32
      %parallel_loop3A_172 = arith.addi %parallel_loop3A_171, %parallel_loop3A_170 : i32
      %parallel_loop3A_173 = arith.index_cast %parallel_loop3A_172 : i32 to index
      %parallel_loop3A_174 = tpu.vector_load %arg7[%parallel_loop3A_173] {strides = array<i32>} : memref<3072xf32, #tpu.memory_space<vmem>>, vector<16xf32>,
      %parallel_loop3A_175 = arith.addf %parallel_loop3A_168, %parallel_loop3A_174 : vector<16xf32>
      %parallel_loop3A_176 = arith.constant 16 : i32
      %parallel_loop3A_177 = arith.muli %parallel_loop3A_163, %parallel_loop3A_176 : i32
      %parallel_loop3A_178 = arith.constant 384 : i32
      %parallel_loop3A_179 = arith.addi %parallel_loop3A_178, %parallel_loop3A_177 : i32
      %parallel_loop3A_180 = arith.index_cast %parallel_loop3A_179 : i32 to index
      %parallel_loop3A_181 = tpu.vector_load %arg7[%parallel_loop3A_180] {strides = array<i32>} : memref<3072xf32, #tpu.memory_space<vmem>>, vector<16xf32>,
      %parallel_loop3A_182 = arith.addf %parallel_loop3A_175, %parallel_loop3A_181 : vector<16xf32>
      %parallel_loop3A_183 = arith.constant 16 : i32
      %parallel_loop3A_184 = arith.muli %parallel_loop3A_163, %parallel_loop3A_183 : i32
      %parallel_loop3A_185 = arith.constant 576 : i32
      %parallel_loop3A_186 = arith.addi %parallel_loop3A_185, %parallel_loop3A_184 : i32
      %parallel_loop3A_187 = arith.index_cast %parallel_loop3A_186 : i32 to index
      %parallel_loop3A_188 = tpu.vector_load %arg7[%parallel_loop3A_187] {strides = array<i32>} : memref<3072xf32, #tpu.memory_space<vmem>>, vector<16xf32>,
      %parallel_loop3A_189 = arith.addf %parallel_loop3A_182, %parallel_loop3A_188 : vector<16xf32>
      %parallel_loop3A_190 = arith.constant 16 : i32
      %parallel_loop3A_191 = arith.muli %parallel_loop3A_163, %parallel_loop3A_190 : i32
      %parallel_loop3A_192 = arith.constant 768 : i32
      %parallel_loop3A_193 = arith.addi %parallel_loop3A_192, %parallel_loop3A_191 : i32
      %parallel_loop3A_194 = arith.index_cast %parallel_loop3A_193 : i32 to index
      %parallel_loop3A_195 = tpu.vector_load %arg7[%parallel_loop3A_194] {strides = array<i32>} : memref<3072xf32, #tpu.memory_space<vmem>>, vector<16xf32>,
      %parallel_loop3A_196 = arith.addf %parallel_loop3A_189, %parallel_loop3A_195 : vector<16xf32>
      %parallel_loop3A_197 = arith.constant 16 : i32
      %parallel_loop3A_198 = arith.muli %parallel_loop3A_163, %parallel_loop3A_197 : i32
      %parallel_loop3A_199 = arith.constant 960 : i32
      %parallel_loop3A_200 = arith.addi %parallel_loop3A_199, %parallel_loop3A_198 : i32
      %parallel_loop3A_201 = arith.index_cast %parallel_loop3A_200 : i32 to index
      %parallel_loop3A_202 = tpu.vector_load %arg7[%parallel_loop3A_201] {strides = array<i32>} : memref<3072xf32, #tpu.memory_space<vmem>>, vector<16xf32>,
      %parallel_loop3A_203 = arith.addf %parallel_loop3A_196, %parallel_loop3A_202 : vector<16xf32>
      %parallel_loop3A_204 = arith.constant 16 : i32
      %parallel_loop3A_205 = arith.muli %parallel_loop3A_163, %parallel_loop3A_204 : i32
      %parallel_loop3A_206 = arith.constant 1152 : i32
      %parallel_loop3A_207 = arith.addi %parallel_loop3A_206, %parallel_loop3A_205 : i32
      %parallel_loop3A_208 = arith.index_cast %parallel_loop3A_207 : i32 to index
      %parallel_loop3A_209 = tpu.vector_load %arg7[%parallel_loop3A_208] {strides = array<i32>} : memref<3072xf32, #tpu.memory_space<vmem>>, vector<16xf32>,
      %parallel_loop3A_210 = arith.addf %parallel_loop3A_203, %parallel_loop3A_209 : vector<16xf32>
      %parallel_loop3A_211 = arith.constant 16 : i32
      %parallel_loop3A_212 = arith.muli %parallel_loop3A_163, %parallel_loop3A_211 : i32
      %parallel_loop3A_213 = arith.constant 1344 : i32
      %parallel_loop3A_214 = arith.addi %parallel_loop3A_213, %parallel_loop3A_212 : i32
      %parallel_loop3A_215 = arith.index_cast %parallel_loop3A_214 : i32 to index
      %parallel_loop3A_216 = tpu.vector_load %arg7[%parallel_loop3A_215] {strides = array<i32>} : memref<3072xf32, #tpu.memory_space<vmem>>, vector<16xf32>,
      %parallel_loop3A_217 = arith.addf %parallel_loop3A_210, %parallel_loop3A_216 : vector<16xf32>
      %parallel_loop3A_218 = arith.constant 16 : i32
      %parallel_loop3A_219 = arith.muli %parallel_loop3A_163, %parallel_loop3A_218 : i32
      %parallel_loop3A_220 = arith.constant 1536 : i32
      %parallel_loop3A_221 = arith.addi %parallel_loop3A_220, %parallel_loop3A_219 : i32
      %parallel_loop3A_222 = arith.index_cast %parallel_loop3A_221 : i32 to index
      %parallel_loop3A_223 = tpu.vector_load %arg7[%parallel_loop3A_222] {strides = array<i32>} : memref<3072xf32, #tpu.memory_space<vmem>>, vector<16xf32>,
      %parallel_loop3A_224 = arith.addf %parallel_loop3A_217, %parallel_loop3A_223 : vector<16xf32>
      %parallel_loop3A_225 = arith.constant 16 : i32
      %parallel_loop3A_226 = arith.muli %parallel_loop3A_163, %parallel_loop3A_225 : i32
      %parallel_loop3A_227 = arith.constant 1728 : i32
      %parallel_loop3A_228 = arith.addi %parallel_loop3A_227, %parallel_loop3A_226 : i32
      %parallel_loop3A_229 = arith.index_cast %parallel_loop3A_228 : i32 to index
      %parallel_loop3A_230 = tpu.vector_load %arg7[%parallel_loop3A_229] {strides = array<i32>} : memref<3072xf32, #tpu.memory_space<vmem>>, vector<16xf32>,
      %parallel_loop3A_231 = arith.addf %parallel_loop3A_224, %parallel_loop3A_230 : vector<16xf32>
      %parallel_loop3A_232 = arith.constant 16 : i32
      %parallel_loop3A_233 = arith.muli %parallel_loop3A_163, %parallel_loop3A_232 : i32
      %parallel_loop3A_234 = arith.constant 1920 : i32
      %parallel_loop3A_235 = arith.addi %parallel_loop3A_234, %parallel_loop3A_233 : i32
      %parallel_loop3A_236 = arith.index_cast %parallel_loop3A_235 : i32 to index
      %parallel_loop3A_237 = tpu.vector_load %arg7[%parallel_loop3A_236] {strides = array<i32>} : memref<3072xf32, #tpu.memory_space<vmem>>, vector<16xf32>,
      %parallel_loop3A_238 = arith.addf %parallel_loop3A_231, %parallel_loop3A_237 : vector<16xf32>
      %parallel_loop3A_239 = arith.constant 16 : i32
      %parallel_loop3A_240 = arith.muli %parallel_loop3A_163, %parallel_loop3A_239 : i32
      %parallel_loop3A_241 = arith.constant 2112 : i32
      %parallel_loop3A_242 = arith.addi %parallel_loop3A_241, %parallel_loop3A_240 : i32
      %parallel_loop3A_243 = arith.index_cast %parallel_loop3A_242 : i32 to index
      %parallel_loop3A_244 = tpu.vector_load %arg7[%parallel_loop3A_243] {strides = array<i32>} : memref<3072xf32, #tpu.memory_space<vmem>>, vector<16xf32>,
      %parallel_loop3A_245 = arith.addf %parallel_loop3A_238, %parallel_loop3A_244 : vector<16xf32>
      %parallel_loop3A_246 = arith.constant 16 : i32
      %parallel_loop3A_247 = arith.muli %parallel_loop3A_163, %parallel_loop3A_246 : i32
      %parallel_loop3A_248 = arith.constant 2304 : i32
      %parallel_loop3A_249 = arith.addi %parallel_loop3A_248, %parallel_loop3A_247 : i32
      %parallel_loop3A_250 = arith.index_cast %parallel_loop3A_249 : i32 to index
      %parallel_loop3A_251 = tpu.vector_load %arg7[%parallel_loop3A_250] {strides = array<i32>} : memref<3072xf32, #tpu.memory_space<vmem>>, vector<16xf32>,
      %parallel_loop3A_252 = arith.addf %parallel_loop3A_245, %parallel_loop3A_251 : vector<16xf32>
      %parallel_loop3A_253 = arith.constant 16 : i32
      %parallel_loop3A_254 = arith.muli %parallel_loop3A_163, %parallel_loop3A_253 : i32
      %parallel_loop3A_255 = arith.constant 2496 : i32
      %parallel_loop3A_256 = arith.addi %parallel_loop3A_255, %parallel_loop3A_254 : i32
      %parallel_loop3A_257 = arith.index_cast %parallel_loop3A_256 : i32 to index
      %parallel_loop3A_258 = tpu.vector_load %arg7[%parallel_loop3A_257] {strides = array<i32>} : memref<3072xf32, #tpu.memory_space<vmem>>, vector<16xf32>,
      %parallel_loop3A_259 = arith.addf %parallel_loop3A_252, %parallel_loop3A_258 : vector<16xf32>
      %parallel_loop3A_260 = arith.constant 16 : i32
      %parallel_loop3A_261 = arith.muli %parallel_loop3A_163, %parallel_loop3A_260 : i32
      %parallel_loop3A_262 = arith.constant 2688 : i32
      %parallel_loop3A_263 = arith.addi %parallel_loop3A_262, %parallel_loop3A_261 : i32
      %parallel_loop3A_264 = arith.index_cast %parallel_loop3A_263 : i32 to index
      %parallel_loop3A_265 = tpu.vector_load %arg7[%parallel_loop3A_264] {strides = array<i32>} : memref<3072xf32, #tpu.memory_space<vmem>>, vector<16xf32>,
      %parallel_loop3A_266 = arith.addf %parallel_loop3A_259, %parallel_loop3A_265 : vector<16xf32>
      %parallel_loop3A_267 = arith.constant 16 : i32
      %parallel_loop3A_268 = arith.muli %parallel_loop3A_163, %parallel_loop3A_267 : i32
      %parallel_loop3A_269 = arith.constant 2880 : i32
      %parallel_loop3A_270 = arith.addi %parallel_loop3A_269, %parallel_loop3A_268 : i32
      %parallel_loop3A_271 = arith.index_cast %parallel_loop3A_270 : i32 to index
      %parallel_loop3A_272 = tpu.vector_load %arg7[%parallel_loop3A_271] {strides = array<i32>} : memref<3072xf32, #tpu.memory_space<vmem>>, vector<16xf32>,
      %parallel_loop3A_273 = arith.addf %parallel_loop3A_266, %parallel_loop3A_272 : vector<16xf32>
      %parallel_loop3A_274 = math.absf %parallel_loop3A_273 : vector<16xf32>
      %parallel_loop3A_275 = arith.addf %parallel_loop3A_164, %parallel_loop3A_274 : vector<16xf32>
      scf.yield %parallel_loop3A_275 : vector<16xf32>
    } {sc.loop_unroll_factor = 1 : i64, sc.parallel_access}
    %swap3A = arith.constant 0 : index
    %swap3A_157 = tpu.vector_load %arg8[%swap3A] {strides = array<i32>} : memref<16xf32, #tpu.memory_space<vmem>>, vector<16xf32>,
    tpu.vector_store %arg8[%swap3A], %parallel_loop3A_156 {strides = array<i32>} : memref<16xf32, #tpu.memory_space<vmem>>, vector<16xf32>,
    %mul3A_158 = arith.constant 16 : i32
    %mul3A_159 = arith.muli %arg1, %mul3A_158 : i32
    "tpu.region"() ({
      %run_scoped3A = tpu.sem_alloc : memref<!tpu.dma_semaphore, #tpu.memory_space<semaphore_mem>>
      %dma_start3A_163 = tpu.memref_slice %arg11[%mul3A_159] : memref<256xf32, #tpu.memory_space<vmem_shared>> -> memref<16xf32, #tpu.memory_space<vmem_shared>>
      %dma_start3A_164 = tpu.memref_slice %arg11[%mul3A_159] : memref<256xf32, #tpu.memory_space<vmem_shared>> -> memref<16xf32, #tpu.memory_space<vmem_shared>>
      tpu.enqueue_dma source(%arg8 : memref<16xf32, #tpu.memory_space<vmem>>) target(%dma_start3A_164 : memref<16xf32, #tpu.memory_space<vmem_shared>>) target_semaphore(%run_scoped3A : memref<!tpu.dma_semaphore, #tpu.memory_space<semaphore_mem>>)
      %dma_wait3A_165 = tpu.memref_slice %arg11[%mul3A_159] : memref<256xf32, #tpu.memory_space<vmem_shared>> -> memref<16xf32, #tpu.memory_space<vmem_shared>>
      %dma_wait3A_166 = tpu.memref_slice %arg11[%mul3A_159] : memref<256xf32, #tpu.memory_space<vmem_shared>> -> memref<16xf32, #tpu.memory_space<vmem_shared>>
      tpu.wait_dma2 semaphore(%run_scoped3A : memref<!tpu.dma_semaphore, #tpu.memory_space<semaphore_mem>>) src(%arg8 : memref<16xf32, #tpu.memory_space<vmem>>) dst(%dma_wait3A_166 : memref<16xf32, #tpu.memory_space<vmem_shared>>)
      tpu.yield
    }) : () -> ()
    %barrier3A_160 = arith.constant 0 : index
    tpu.barrier barrier_id(%barrier3A_160)
    %eq3A = arith.constant 0 : i32
    %eq3A_161 = arith.cmpi eq, %arg1, %eq3A : i32
    %convert_element_type3A = arith.extui %eq3A_161 : i1 to i32
    %cond3A = arith.constant 0 : i32
    %cond3A_162 = arith.cmpi ne, %convert_element_type3A, %cond3A : i32
    scf.if %cond3A_162 {
      "tpu.region"() ({
        %run_scoped3A = tpu.sem_alloc : memref<!tpu.dma_semaphore, #tpu.memory_space<semaphore_mem>>
        tpu.enqueue_dma source(%arg11 : memref<256xf32, #tpu.memory_space<vmem_shared>>) target(%arg9 : memref<256xf32, #tpu.memory_space<vmem>>) target_semaphore(%run_scoped3A : memref<!tpu.dma_semaphore, #tpu.memory_space<semaphore_mem>>)
        tpu.wait_dma2 semaphore(%run_scoped3A : memref<!tpu.dma_semaphore, #tpu.memory_space<semaphore_mem>>) src(%arg11 : memref<256xf32, #tpu.memory_space<vmem_shared>>) dst(%arg9 : memref<256xf32, #tpu.memory_space<vmem>>)
        tpu.yield
      }) : () -> ()
      %get3A = arith.constant 0 : index
      %get3A_163 = tpu.vector_load %arg9[%get3A] {strides = array<i32>} : memref<256xf32, #tpu.memory_space<vmem>>, vector<16xf32>,
      %add3A_164 = arith.addf %broadcast_in_dim3A_3, %get3A_163 : vector<16xf32>
      %get3A_165 = arith.constant 16 : index
      %get3A_166 = tpu.vector_load %arg9[%get3A_165] {strides = array<i32>} : memref<256xf32, #tpu.memory_space<vmem>>, vector<16xf32>,
      %add3A_167 = arith.addf %add3A_164, %get3A_166 : vector<16xf32>
      %get3A_168 = arith.constant 32 : index
      %get3A_169 = tpu.vector_load %arg9[%get3A_168] {strides = array<i32>} : memref<256xf32, #tpu.memory_space<vmem>>, vector<16xf32>,
      %add3A_170 = arith.addf %add3A_167, %get3A_169 : vector<16xf32>
      %get3A_171 = arith.constant 48 : index
      %get3A_172 = tpu.vector_load %arg9[%get3A_171] {strides = array<i32>} : memref<256xf32, #tpu.memory_space<vmem>>, vector<16xf32>,
      %add3A_173 = arith.addf %add3A_170, %get3A_172 : vector<16xf32>
      %get3A_174 = arith.constant 64 : index
      %get3A_175 = tpu.vector_load %arg9[%get3A_174] {strides = array<i32>} : memref<256xf32, #tpu.memory_space<vmem>>, vector<16xf32>,
      %add3A_176 = arith.addf %add3A_173, %get3A_175 : vector<16xf32>
      %get3A_177 = arith.constant 80 : index
      %get3A_178 = tpu.vector_load %arg9[%get3A_177] {strides = array<i32>} : memref<256xf32, #tpu.memory_space<vmem>>, vector<16xf32>,
      %add3A_179 = arith.addf %add3A_176, %get3A_178 : vector<16xf32>
      %get3A_180 = arith.constant 96 : index
      %get3A_181 = tpu.vector_load %arg9[%get3A_180] {strides = array<i32>} : memref<256xf32, #tpu.memory_space<vmem>>, vector<16xf32>,
      %add3A_182 = arith.addf %add3A_179, %get3A_181 : vector<16xf32>
      %get3A_183 = arith.constant 112 : index
      %get3A_184 = tpu.vector_load %arg9[%get3A_183] {strides = array<i32>} : memref<256xf32, #tpu.memory_space<vmem>>, vector<16xf32>,
      %add3A_185 = arith.addf %add3A_182, %get3A_184 : vector<16xf32>
      %get3A_186 = arith.constant 128 : index
      %get3A_187 = tpu.vector_load %arg9[%get3A_186] {strides = array<i32>} : memref<256xf32, #tpu.memory_space<vmem>>, vector<16xf32>,
      %add3A_188 = arith.addf %add3A_185, %get3A_187 : vector<16xf32>
      %get3A_189 = arith.constant 144 : index
      %get3A_190 = tpu.vector_load %arg9[%get3A_189] {strides = array<i32>} : memref<256xf32, #tpu.memory_space<vmem>>, vector<16xf32>,
      %add3A_191 = arith.addf %add3A_188, %get3A_190 : vector<16xf32>
      %get3A_192 = arith.constant 160 : index
      %get3A_193 = tpu.vector_load %arg9[%get3A_192] {strides = array<i32>} : memref<256xf32, #tpu.memory_space<vmem>>, vector<16xf32>,
      %add3A_194 = arith.addf %add3A_191, %get3A_193 : vector<16xf32>
      %get3A_195 = arith.constant 176 : index
      %get3A_196 = tpu.vector_load %arg9[%get3A_195] {strides = array<i32>} : memref<256xf32, #tpu.memory_space<vmem>>, vector<16xf32>,
      %add3A_197 = arith.addf %add3A_194, %get3A_196 : vector<16xf32>
      %get3A_198 = arith.constant 192 : index
      %get3A_199 = tpu.vector_load %arg9[%get3A_198] {strides = array<i32>} : memref<256xf32, #tpu.memory_space<vmem>>, vector<16xf32>,
      %add3A_200 = arith.addf %add3A_197, %get3A_199 : vector<16xf32>
      %get3A_201 = arith.constant 208 : index
      %get3A_202 = tpu.vector_load %arg9[%get3A_201] {strides = array<i32>} : memref<256xf32, #tpu.memory_space<vmem>>, vector<16xf32>,
      %add3A_203 = arith.addf %add3A_200, %get3A_202 : vector<16xf32>
      %get3A_204 = arith.constant 224 : index
      %get3A_205 = tpu.vector_load %arg9[%get3A_204] {strides = array<i32>} : memref<256xf32, #tpu.memory_space<vmem>>, vector<16xf32>,
      %add3A_206 = arith.addf %add3A_203, %get3A_205 : vector<16xf32>
      %get3A_207 = arith.constant 240 : index
      %get3A_208 = tpu.vector_load %arg9[%get3A_207] {strides = array<i32>} : memref<256xf32, #tpu.memory_space<vmem>>, vector<16xf32>,
      %add3A_209 = arith.addf %add3A_206, %get3A_208 : vector<16xf32>
      %mul3A_210 = arith.constant 6.20881735E-10 : f32
      %mul3A_211 = vector.broadcast %mul3A_210 : f32 to vector<16xf32>
      %mul3A_212 = arith.mulf %add3A_209, %mul3A_211 : vector<16xf32>
      %swap3A_213 = arith.constant 0 : index
      %swap3A_214 = tpu.vector_load %arg8[%swap3A_213] {strides = array<i32>} : memref<16xf32, #tpu.memory_space<vmem>>, vector<16xf32>,
      tpu.vector_store %arg8[%swap3A_213], %mul3A_212 {strides = array<i32>} : memref<16xf32, #tpu.memory_space<vmem>>, vector<16xf32>,
      %mul3A_215 = arith.constant 16 : i32
      %mul3A_216 = arith.muli %arg0, %mul3A_215 : i32
      "tpu.region"() ({
        %run_scoped3A = tpu.sem_alloc : memref<!tpu.dma_semaphore, #tpu.memory_space<semaphore_mem>>
        %dma_start3A_217 = tpu.memref_slice %arg4[%mul3A_216] : memref<32xf32, #tpu.memory_space<hbm>> -> memref<16xf32, #tpu.memory_space<hbm>>
        %dma_start3A_218 = tpu.memref_slice %arg4[%mul3A_216] : memref<32xf32, #tpu.memory_space<hbm>> -> memref<16xf32, #tpu.memory_space<hbm>>
        tpu.enqueue_dma source(%arg8 : memref<16xf32, #tpu.memory_space<vmem>>) target(%dma_start3A_218 : memref<16xf32, #tpu.memory_space<hbm>>) target_semaphore(%run_scoped3A : memref<!tpu.dma_semaphore, #tpu.memory_space<semaphore_mem>>)
        %dma_wait3A_219 = tpu.memref_slice %arg4[%mul3A_216] : memref<32xf32, #tpu.memory_space<hbm>> -> memref<16xf32, #tpu.memory_space<hbm>>
        %dma_wait3A_220 = tpu.memref_slice %arg4[%mul3A_216] : memref<32xf32, #tpu.memory_space<hbm>> -> memref<16xf32, #tpu.memory_space<hbm>>
        tpu.wait_dma2 semaphore(%run_scoped3A : memref<!tpu.dma_semaphore, #tpu.memory_space<semaphore_mem>>) src(%arg8 : memref<16xf32, #tpu.memory_space<vmem>>) dst(%dma_wait3A_220 : memref<16xf32, #tpu.memory_space<hbm>>)
        tpu.yield
      }) : () -> ()
    } else {
    }
    return
  }
}

</mosaic_0001>

<sc_bundles>
// kernel: kernel.3.cloned.1.call-start
scs
__scs_entry_jumppad:
0x0: {  	(pc) =	sbr.rel $0x88, $3  }
0x1: {  	(tag) =	ssettag $0x0;
	lr =	simm.s32 $0x1  }
0x2: {  	[smem:$0x3F9F] =	sst lr;
	_ =	strace $0xD0000000  }
0x3: {  	_ = 	snop  }
0x4: {  	_ = 	snop  }
0x5: {  	_ = 	snop  }
0x6: {  	_ = 	snop  }
0x7: {  	_ = 	snop  }
__scs_overlays_trampoline_lowered:
0x8: {  	[smem:$0x3FAE] =	sst s0  }
0x9: {  	[smem:$0x3FAF] =	sst s1  }
0xa: {  	[smem:$0x3FB0] =	sst s2  }
0xb: {  	[smem:$0x3FB1] =	sst s3  }
0xc: {  	[smem:$0x3FB2] =	sst s4  }
0xd: {  	[smem:$0x3FB3] =	sst s5  }
0xe: {  	[smem:$0x3FB4] =	sst s6  }
0xf: {  	[smem:$0x3FB5] =	sst s7  }
0x10: {  	[smem:$0x3FB6] =	sst s8  }
0x11: {  	[smem:$0x3FB7] =	sst s9;
	s0 =	simm.s32 @!p0 $0x0  }
0x12: {  	s1 =	sld [smem:$0x3F9D];
	s0 =	simm.s32 @p0 $0x1  }
0x13: {  	[smem:$0x3FB8] =	sst s0;
	s0 =	simm.s32 @!p1 $0x0  }
0x14: {  	s2 =	sld [smem:$0x3F9C];
	s0 =	simm.s32 @p1 $0x1  }
0x15: {  	[smem:$0x3FB9] =	sst s0;
	s0 =	simm.s32 @!p2 $0x0  }
0x16: {  	s3 =	sld [smem:$0x3FDB];
	s0 =	simm.s32 @p2 $0x1  }
0x17: {  	s4 =	simm.s32 $0x1BF5;
	[smem:$0x3FBB] =	sst s0  }
0x18: {  	s0 =	sld [smem:$0x3F9E];
	_ =	swait.ge [sflag:s4], $0x0  }
0x19: {  	s7 =	sld [smem:$0x3F9F]  }
0x1a: {  	s8 =	sadd.s32 $0xFFFFE003, lr  }
0x1b: {  	s9 =	sadd.s32 $0xFFFFFEF7, lr;
	s5 =	simm.s32 $0xFFFFFFFF;
	p2 =	slt.u32 s8, $0xFFFFF086  }
0x1c: {  	p1 =	slt.u32 s9, $0xF7A;
	s5 =	simm.s32 @!p2 $0x0  }
0x1d: {  	s5 =	simm.s32 @p1 $0x1;
	p0 =	seq.s32 s7, s2  }
0x1e: {  	s7 =	smul.u32 @!p0 $0xF7A, s2;
	p2 =	seq.s32 @!p0 s5, $0x0  }
0x1f: {  	s9 =	smul.u32 $0xF7A, s1;
	s8 =	simm.s32 @!p0 $0x1BF5;
	p2 =	por !p2, p0  }
0x20: {  	[sflag:s8] =	ssyncset.s32 @!p0 $0xFFFFF086;
	s6 =	sadd.s32 @!p0 s3, s7;
	s7 =	simm.s32 @!p0 $0x108  }
0x21: {  	s3 =	sadd.s32 s3, s9;
	s6 =	sadd.s32 @!p0 $0x88, s6;
	s7 =	simm.s32 @p2 $0x1082  }
0x22: {  	[simem:s7], [sflag:s8] =	dma.local @!p0 [hbm:s6], $0xF7A  }
0x23: {  	s9 =	sor.u32 $0xD0000000, s2;
	s6 =	simm.s32 $0x108;
	_ =	swait.ge @!p0 [sflag:s8], $0x0  }
0x24: {  	s3 =	sadd.s32 $0x88, s3;
	s6 =	simm.s32 @!p1 $0x1082;
	[sflag:s4] =	ssyncset.s32 $0xFFFFF086  }
0x25: {  	[simem:s6], [sflag:s4] =	dma.local [hbm:s3], $0xF7A  }
0x26: {  	[smem:$0x3F9F] =	sst s1;
	(tag) =	ssettag s2;
	_ =	strace s9  }
0x27: {  	s1 =	sld [smem:$0x3FAF]  }
0x28: {  	s2 =	sld [smem:$0x3FB0]  }
0x29: {  	s4 =	sld [smem:$0x3FB2]  }
0x2a: {  	p0 =	seq.s32 s5, $0x0;
	s5 =	sld [smem:$0x3FB3]  }
0x2b: {  	s6 =	sld [smem:$0x3FB4]  }
0x2c: {  	s7 =	sld [smem:$0x3FB5]  }
0x2d: {  	s3 =	simm.s32 $0x108;
	s8 =	sld [smem:$0x3FB6]  }
0x2e: {  	s3 =	simm.s32 @!p0 $0x1082;
	s9 =	sld [smem:$0x3FB7]  }
0x2f: {  	lr =	sadd.s32 s0, s3;
	s0 =	sld [smem:$0x3FAE]  }
0x30: {  	s3 =	sld [smem:$0x3FB1]  }
0x31: {  	[smem:$0x3FBA] =	sst s10  }
0x32: {  	s10 =	sld [smem:$0x3FB8];
	_ =	sdelay $0x3  }
0x33: {  	p0 =	seq.s32 s10, $0x1;
	s10 =	sld [smem:$0x3FBA];
	_ =	sdelay $0x3  }
0x34: {  	[smem:$0x3FBA] =	sst s10  }
0x35: {  	s10 =	sld [smem:$0x3FB9];
	_ =	sdelay $0x3  }
0x36: {  	p1 =	seq.s32 s10, $0x1;
	s10 =	sld [smem:$0x3FBA];
	_ =	sdelay $0x3  }
0x37: {  	[smem:$0x3FBA] =	sst s10  }
0x38: {  	s10 =	sld [smem:$0x3FBB]  }
0x39: {  	_ = 	snop;
	(pc) =	sbr.ind lr, $3  }
0x3a: {  	_ = 	snop  }
0x3b: {  	_ = 	snop  }
0x3c: {  	p2 =	seq.s32 s10, $0x1;
	s10 =	sld [smem:$0x3FBA]  }
0x3d: {  	_ =	shalt  }
0x3e: {  	_ =	shalt  }
0x3f: {  	_ =	shalt  }
0x40: {  	_ =	shalt  }
0x41: {  	_ =	shalt  }
0x42: {  	_ =	shalt  }
0x43: {  	_ =	shalt  }
0x44: {  	_ =	shalt  }
0x45: {  	_ =	shalt  }
0x46: {  	_ =	shalt  }
0x47: {  	_ =	shalt  }
0x48: {  	_ =	shalt  }
0x49: {  	_ =	shalt  }
0x4a: {  	_ =	shalt  }
0x4b: {  	_ =	shalt  }
0x4c: {  	_ =	shalt  }
0x4d: {  	_ =	shalt  }
0x4e: {  	_ =	shalt  }
0x4f: {  	_ =	shalt  }
0x50: {  	_ =	shalt  }
0x51: {  	_ =	shalt  }
0x52: {  	_ =	shalt  }
0x53: {  	_ =	shalt  }
0x54: {  	_ =	shalt  }
0x55: {  	_ =	shalt  }
0x56: {  	_ =	shalt  }
0x57: {  	_ =	shalt  }
0x58: {  	_ =	shalt  }
0x59: {  	_ =	shalt  }
0x5a: {  	_ =	shalt  }
0x5b: {  	_ =	shalt  }
0x5c: {  	_ =	shalt  }
0x5d: {  	_ =	shalt  }
0x5e: {  	_ =	shalt  }
0x5f: {  	_ =	shalt  }
0x60: {  	_ =	shalt  }
0x61: {  	_ =	shalt  }
0x62: {  	_ =	shalt  }
0x63: {  	_ =	shalt  }
0x64: {  	_ =	shalt  }
0x65: {  	_ =	shalt  }
0x66: {  	_ =	shalt  }
0x67: {  	_ =	shalt  }
0x68: {  	_ =	shalt  }
0x69: {  	_ =	shalt  }
0x6a: {  	_ =	shalt  }
0x6b: {  	_ =	shalt  }
0x6c: {  	_ =	shalt  }
0x6d: {  	_ =	shalt  }
0x6e: {  	_ =	shalt  }
0x6f: {  	_ =	shalt  }
0x70: {  	_ =	shalt  }
0x71: {  	_ =	shalt  }
0x72: {  	_ =	shalt  }
0x73: {  	_ =	shalt  }
0x74: {  	_ =	shalt  }
0x75: {  	_ =	shalt  }
0x76: {  	_ =	shalt  }
0x77: {  	_ =	shalt  }
0x78: {  	_ =	shalt  }
0x79: {  	_ =	shalt  }
0x7a: {  	_ =	shalt  }
0x7b: {  	_ =	shalt  }
0x7c: {  	_ =	shalt  }
0x7d: {  	_ =	shalt  }
0x7e: {  	_ =	shalt  }
0x7f: {  	_ =	shalt  }
0x80: {  	_ =	shalt  }
0x81: {  	_ =	shalt  }
0x82: {  	_ =	shalt  }
0x83: {  	_ =	shalt  }
0x84: {  	_ =	shalt  }
0x85: {  	_ =	shalt  }
0x86: {  	_ =	shalt  }
0x87: {  	_ =	shalt  }
.Lfunc_end0:
.L_simem_size_0:
called_computation_lowered:
.L_overlay_start_0:
0x88: {  	s2 =	sld [smem:$0x3FD9]  }
0x89: {  	s3 =	sld [smem:$0x3FFE];
	_ =	sdelay $0x1  }
0x8a: {  	s1 =	srdreg.scid  }
0x8b: {  	s0 =	sand.u32 $0x1, s1  }
0x8c: {  	s17 =	sshll.u32 s0, $0xA;
	s2 =	sadd.s32 s3, s2  }
0x8d: {  	s2 =	sadd.s32 s2, s17  }
0x8e: {  	[smem:$0x3FC6] =	sst s2  }
0x8f: {  	_ = 	snop  }
0x90: {  	s2 =	sld [smem:$0x3FC9]  }
0x91: {  	s18 =	sld [smem:$0x3FC8];
	(tm) =	ssettm $0x1  }
0x92: {  	s4 =	sld [smem:$0x3FFB];
	_ =	sdelay $0x3  }
0x93: {  	_ =	strace s4  }
0x94: {  	s4 =	sld [smem:$0x3FFC];
	_ =	sdelay $0x3  }
0x95: {  	_ =	strace s4  }
0x96: {  	s4 =	sld [smem:$0x3FFD];
	_ =	sdelay $0x3  }
0x97: {  	_ =	strace s4  }
0x98: {  	_ =	strace $0x8FFFFFFF  }
0x99: {  	s19 =	sld [smem:$0x3FDB];
	_ =	sdelay $0x1  }
0x9a: {  	s5 =	simm.s32 $_scs_section_size  }
0x9b: {  	s6 =	simm.s32 $_size__tile_overlayer_lowered;
	s7 =	simm.s32 $_tile_overlayer_lowered  }
0x9c: {  	s22 =	simm.s32 $0x1BFF;
	s21 =	sshll.u32 s7, $0x1;
	s4 =	sadd.s32 s5, s19  }
0x9d: {  	s8 =	simm.s32 $0x0;
	s20 =	sshll.u32 s6, $0x1;
	s6 =	sadd.s32 s21, s4  }
0x9e: {  	[timem:s8], [sflag:s22] =	dma.local [hbm:s6], s20  }
0x9f: {  	_ =	swait.ge [sflag:s22], s20  }
0xa0: {  	s5 =	ssub.s32 $0x0, s20;
	[sflag:s22] =	ssyncset.done $0x0  }
0xa1: {  	[sflag:s22] =	ssyncadd.s32 s5;
	_ =	sdelay $0x1  }
0xa2: {  	s23 =	simm.s32 $0x1B8B  }
0xa3: {  	_ =	swait.ge [sflag:s23], $0x1  }
0xa4: {  	[sflag:s23] =	ssyncset.done $0x0  }
0xa5: {  	s25 =	simm.s32 $0x1B8E;
	s24 =	sld [smem:$0x3FFE];
	[sflag:s23] =	ssyncadd.s32 $0xFFFFFFFF  }
0xa6: {  	s26 =	simm.s32 $execute0_lowered;
	[smem:$0x3FD2] =	sst s25  }
0xa7: {  	s6 =	sshll.u32 s26, $0x1;
	_ =	strace $0x80000046;
	[dreg:$0x1] =	wrdreg $0xFFFFFFFF  }
0xa8: {  	s28 =	simm.s32 $_size_execute0_lowered;
	s4 =	sadd.s32 s4, s6;
	[dreg:$0x0] =	wrdreg $0x0  }
0xa9: {  	s6 =	sshll.u32 s28, $0x1;
	[dreg:$0x2] =	wrdreg s4  }
0xaa: {  	[dreg:$0x3] =	wrdreg s6  }
0xab: {  	[dreg:$0x4] =	wrdreg $0xC0  }
0xac: {  	_ =	task [dreg:s8], $0x5FFFF  }
0xad: {  	[dreg:$0x1] =	wrdreg $0xFFFFFFFF  }
0xae: {  	[dreg:$0x0] =	wrdreg $0x60  }
0xaf: {  	[dreg:$0x2] =	wrdreg s2  }
0xb0: {  	[dreg:$0x3] =	wrdreg s18  }
0xb1: {  	[dreg:$0x4] =	wrdreg s24  }
0xb2: {  	[dreg:$0x5] =	wrdreg $0x99800  }
0xb3: {  	[dreg:$0x6] =	wrdreg $0xA5800  }
0xb4: {  	[dreg:$0x7] =	wrdreg $0x9  }
0xb5: {  	_ =	task.clear_ibuf [dreg:s8], $0x8FFFF;
	_ =	strace $0x90000046  }
0xb6: {  	s29 =	simm.s32 $0x9;
	_ =	strace $0x80000048  }
0xb7: {  	_ =	swait.ge [sflag:s29], $0x1  }
0xb8: {  	[sflag:s29] =	ssyncadd.s32 $0xFFFFFFFF  }
0xb9: {  	_ =	strace $0x90000048  }
0xba: {  	_ =	sfence  }
0xbb: {  	s30 =	sld [smem:$0x0];
	_ =	sdelay $0x2  }
0xbc: {  	s31 =	sshll.u32 s1, $0xD;
	s1 =	sshrl.u32 s1, $0x2  }
0xbd: {  	s3 =	sand.u32 $0x4000, s31;
	s1 =	sadd.s32 s1, s30  }
0xbe: {  	s0 =	sor.u32 s3, s0;
	s1 =	sshll.u32 s1, $0x11  }
0xbf: {  	s0 =	sor.u32 s1, s0  }
0xc0: {  	s0 =	sadd.s32 $0x8F2B, s0  }
0xc1: {  	[sflag:s0] =	ssyncadd.remote.s32 $0x1  }
0xc2: {  	_ =	sfence.sel $0xFFFF  }
0xc3: {  	[dreg:$0x0] =	wrdreg $0xFFFFFFFF;
	(pc) =	sbr.abs _section_cstart, $3  }
0xc4: {  	[dreg:$0x1] =	wrdreg $0xFFFFFFFF  }
0xc5: {  	_ =	task.clear_ibuf [dreg:s8], $0x2FFFF;
	_ =	strace $0x9FFFFFFF  }
0xc6: {  	(tm) =	ssettm $0x7FFFFFFF  }
0xc7: {  	_ =	shalt  }
tec
execute0_lowered:
.L_overlay_start_1:
0x0: {  	(tag) =	ssettag $0x1  }
0x1: {  	s0 =	rddreg [dreg:$0x0]  }
0x2: {  	s1 =	rddreg [dreg:$0x1]  }
0x3: {  	s2 =	rddreg [dreg:$0x2]  }
0x4: {  	s3 =	rddreg [dreg:$0x3]  }
0x5: {  	s4 =	srdreg.scid;
	s9 =	stileid.u32  }
0x6: {  	s13 =	rddreg [dreg:$0x4];
	s29 =	simm.s32 $0x4000;
	s5 =	smul.u32 $0x30000, s9  }
0x7: {  	s30 =	simm.s32 $0x1;
	s31 =	simm.s32 $0x8000;
	s10 =	smul.u32 $0x300, s9  }
0x8: {  	s8 =	sand.u32 $0x1, s4;
	s4 =	simm.s32 $0x0;
	s12 =	smul.u32 $0x3000, s9  }
0x9: {  	s26 =	sshll.u32 s9, $0x4;
	p0 =	sne.s32 s9, $0x0;
	s6 =	smul.u32 $0x300000, s8  }
0xa: {  	[smem:$0x7FF] =	sst s4;
	s7 =	ssub.s32 $0x2, s8;
	s25 =	sshll.u32 s8, $0x1  }
0xb: {  	s8 =	simm.s32 $0x0;
	_ =	strace $0x80000047;
	s11 =	sshrl.u32 s7, $0x1  }
0xc: {  	s17 =	sshrl.u32 s10, $0x2;
	s12 =	sshrl.u32 s12, $0x2;
	s11 =	ssub.s32 s7, s11  }
0xd: {  	s6 =	sadd.s32 s5, s6;
	s7 =	sadd.s32 s17, s3;
	s3 =	sadd.s32 s12, s3  }
0xe: {  	s18 =	sshrl.u32 s6, $0x3;
	[dreg:$0x7] =	wrdreg s3;
	s19 =	sadd.s32 $0xC00, s7  }
0xf: {  	s20 =	sadd.s32 $0x1800, s7;
	s21 =	sadd.s32 $0x2400, s7;
	[dreg:$0x8] =	wrdreg s19  }
0x10: {  	s22 =	sadd.s32 $0x3000, s7;
	s23 =	sadd.s32 $0x3C00, s7;
	[dreg:$0x9] =	wrdreg s20  }
0x11: {  	s24 =	sadd.s32 $0x4800, s7;
	s16 =	sadd.s32 $0x5400, s7;
	[dreg:$0xa] =	wrdreg s21  }
0x12: {  	s17 =	sadd.s32 $0x6000, s7;
	s28 =	sadd.s32 $0xB400, s7;
	[dreg:$0xb] =	wrdreg s22  }
0x13: {  	s3 =	simm.s32 $0x3;
	s10 =	sadd.s32 s0, s18;
	[dreg:$0xc] =	wrdreg s23  }
0x14: {  	[dreg:$0xd] =	wrdreg s24;
	s18 =	sadd.s32 $0x6C00, s7;
	s19 =	sadd.s32 $0x7800, s7  }
0x15: {  	s20 =	sadd.s32 $0x8400, s7;
	s21 =	sadd.s32 $0x9000, s7;
	s22 =	sadd.s32 s2, s25  }
0x16: {  	s23 =	sadd.s32 $0x9C00, s7;
	s24 =	sadd.s32 s26, s13;
	s25 =	smax.u32 s11, $0x1  }
0x17: {  	v0 =	vimm.f32 $0.0e+00;
	s26 =	sadd.s32 $0xA800, s7;
	s2 =	simm.s32 $0x2;
	[dreg:$0x6] =	wrdreg s10  }
.LBB2_1:
0x18: {  	s9 =	simm.s32 $0x8040  }
0x19: {  	[tilespmem:s9+$0xFFFFFFC0] =	vst v0  }
0x1a: {  	[tilespmem:s9+$0x30] =	vst v0  }
0x1b: {  	[tilespmem:s9+$0x20] =	vst v0  }
0x1c: {  	[tilespmem:s9+$0x10] =	vst v0  }
0x1d: {  	[tilespmem:s9+$0x0] =	vst v0  }
0x1e: {  	[tilespmem:s9+$0xFFFFFFF0] =	vst v0  }
0x1f: {  	s10 =	simm.s32 $0x0;
	[tilespmem:s9+$0xFFFFFFE0] =	vst v0  }
.LBB2_2:
0x20: {  	s10 =	sadd.s32 $0x8, s10;
	[tilespmem:s9+$0xFFFFFFD0] =	vst v0;
	s9 =	sadd.s32 $0x80, s9  }
0x21: {  	[tilespmem:s9+$0xFFFFFFC0] =	vst v0;
	p1 =	slt.u32 s10, $0xB8  }
0x22: {  	[tilespmem:s9+$0x30] =	vst v0  }
.Ltmp0:
0x23: {  	[tilespmem:s9+$0x20] =	vst v0;
	(pc) =	sbr.rel @p1 .LBB2_2-.Ltmp0, $4  }
0x24: {  	[tilespmem:s9+$0x10] =	vst v0  }
0x25: {  	[tilespmem:s9+$0x0] =	vst v0  }
0x26: {  	[tilespmem:s9+$0xFFFFFFF0] =	vst v0  }
0x27: {  	[tilespmem:s9+$0xFFFFFFE0] =	vst v0  }
0x28: {  	[tilespmem:s9+$0xFFFFFFD0] =	vst v0  }
0x29: {  	s9 =	simm.s32 $0x0;
	s10 =	rddreg [dreg:$0x6]  }
0x2a: {  	[tilespmem:s9], [sflag:$0x1] =	stream.linear.gather [hbm4b:s10+s9], $0x4000, $0x38;
	[tilespmem:$0xA590] =	vst v63  }
.LBB2_4:
0x2b: {  	s11 =	sshll.u32 s9, $0x1  }
0x2c: {  	s10 =	sshllo.u32 s9, $0x1;
	p1 =	slt.u32 s9, $0x6;
	s12 =	sadd.s32 $0x3FFF5, s11  }
0x2d: {  	s12 =	smov.u32 @p1 s10  }
0x2e: {  	s10 =	sshll.u32 s12, $0xE  }
0x2f: {  	s13 =	smov.u32 s1;
	s12 =	sadd.s32 s6, s10  }
0x30: {  	s13 =	smov.u32 @p1 s0;
	s12 =	sshrl.u32 s12, $0x3  }
0x31: {  	s12 =	sadd.s32 s13, s12  }
0x32: {  	[tilespmem:s29], [sflag:$0x2] =	stream.linear.gather [hbm4b:s12+s4], $0x4000, $0x38;
	[tilespmem:$0xA590] =	vst v63  }
0x33: {  	_ =	swait.ge [sflag:s30], $0x4000  }
0x34: {  	[sflag:s30] =	ssyncset.done $0x0  }
0x35: {  	s15 =	simm.s32 $0x20;
	s13 =	sshll.u32 s9, $0xF;
	[sflag:s30] =	ssyncadd.s32 $0xFFFFC000  }
0x36: {  	s14 =	sadd.s32 $0xFFFD0000, s13;
	v1 =	vld [tilespmem:s15+$0x10]  }
0x37: {  	s14 =	smov.u32 @p1 s13;
	v2 =	vld [tilespmem:s15+$0xFFFFFFF0]  }
0x38: {  	s13 =	sadd.s32 s5, s14;
	v3 =	vld [tilespmem:s15+$0x0]  }
0x39: {  	v4 =	vld [tilespmem:s15+$0xFFFFFFE0];
	s15 =	sand.u32 $0x38000, s13  }
0x3a: {  	p2 =	sne.s32 s15, $0x0;
	s15 =	simm.s32 $0x60  }
0x3b: {  	v6 =	vld [tilespmem:s15+$0x10]  }
0x3c: {  	v7 =	vld [tilespmem:s15+$0xFFFFFFF0]  }
0x3d: {  	v8 =	vld [tilespmem:s15+$0x0]  }
0x3e: {  	s12 =	simm.f32 $1.000000000e+00;
	v5 =	vmul.f32 $2.560000000e+02, v1;
	v2 =	vmul.f32 $2.560000000e+02, v2  }
0x3f: {  	s12 =	simm.s32 @!p1 $0xBF800000;
	s14 =	sshra.s32 s13, $0x1F;
	p6 =	slt.s32 s13, $0x1;
	v3 =	vmul.f32 $2.560000000e+02, v3;
	v4 =	vmul.f32 $2.560000000e+02, v4  }
0x40: {  	s14 =	sshrl.u32 s14, $0xE;
	p1 =	por !p6, !p2;
	v1 =	vmov s12;
	v5 =	vmax.f32 v5, $0.0e+00;
	v2 =	vmax.f32 v2, $0.0e+00  }
0x41: {  	p1 =	por !p1, !p1;
	s12 =	sadd.s32 s14, s13;
	s13 =	simm.s32 $0x1;
	v3 =	vmax.f32 v3, $0.0e+00;
	v4 =	vmax.f32 v4, $0.0e+00;
	v6 =	vmul.f32 $2.560000000e+02, v6  }
0x42: {  	s12 =	sshra.s32 s12, $0x12;
	s13 =	simm.s32 @!p1 $0x0;
	v7 =	vmul.f32 $2.560000000e+02, v7;
	v8 =	vmul.f32 $2.560000000e+02, v8;
	v5 =	vmin.f32 v5, $2.550000000e+02  }
0x43: {  	s12 =	ssub.s32 s12, s13;
	v2 =	vmin.f32 v2, $2.550000000e+02;
	v3 =	vmin.f32 v3, $2.550000000e+02;
	v5 =	vtrunc.f32 v5  }
0x44: {  	v10 =	vld [tilespmem:s15+$0xFFFFFFE0];
	s12 =	sshll.u32 s12, $0x8;
	v4 =	vmin.f32 v4, $2.550000000e+02;
	v9 =	vtrunc.f32 v2;
	v3 =	vtrunc.f32 v3  }
0x45: {  	v2 =	vmov s12;
	v4 =	vtrunc.f32 v4;
	v6 =	vmax.f32 v6, $0.0e+00  }
0x46: {  	s15 =	simm.s32 $0xA0;
	v7 =	vmax.f32 v7, $0.0e+00;
	v8 =	vmax.f32 v8, $0.0e+00;
	v5 =	vcvt.f32.s32 v5  }
0x47: {  	v4 =	vcvt.f32.s32 v4;
	v11 =	vcvt.f32.s32 v3;
	v3 =	vld [tilespmem:s15+$0x10];
	v6 =	vmin.f32 v6, $2.550000000e+02  }
0x48: {  	v7 =	vmin.f32 v7, $2.550000000e+02;
	v6 =	vtrunc.f32 v6;
	v5 =	vadd.s32 v5, v2  }
0x49: {  	v12 =	vadd.s32 v4, v2;
	v4 =	vmul.f32 $2.560000000e+02, v10;
	v6 =	vcvt.f32.s32 v6  }
0x4a: {  	v13 =	vld [tilespmem:s15+$0xFFFFFFF0];
	v9 =	vcvt.f32.s32 v9;
	v14 =	vtrunc.f32 v7;
	v7 =	vmin.f32 v8, $2.550000000e+02  }
0x4b: {  	v8 =	vld [tilespmem:s15+$0x0];
	v15 =	vtrunc.f32 v7;
	v4 =	vmax.f32 v4, $0.0e+00;
	v7 =	vadd.s32 v6, v2  }
0x4c: {  	v4 =	vmin.f32 v4, $2.550000000e+02;
	v6 =	vmul.f32 $2.560000000e+02, v3;
	v3 =	vadd.s32 v9, v2;
	v9 =	vld [tilespmem:s15+$0xFFFFFFE0]  }
0x4d: {  	v4 =	vtrunc.f32 v4  }
0x4e: {  	[tilespmem:v5+s31+$0x0] =	vst.idx.add.f32.msk $0xffff, v1;
	v10 =	vcvt.f32.s32 v4;
	v5 =	vcvt.f32.s32 v14;
	v4 =	vadd.s32 v11, v2  }
0x4f: {  	s13 =	simm.s32 $0xE0;
	s12 =	simm.s32 $0x8;
	[tilespmem:v12+s31+$0x0] =	vst.idx.add.f32.msk $0xffff, v1;
	v11 =	vmul.f32 $2.560000000e+02, v13;
	v12 =	vmax.f32 v6, $0.0e+00;
	v6 =	vcvt.f32.s32 v15  }
.LBB2_5:
0x50: {  	v13 =	vld [tilespmem:s13+$0x10];
	s12 =	sadd.s32 $0x4, s12;
	v8 =	vmul.f32 $2.560000000e+02, v8;
	v12 =	vmin.f32 v12, $2.550000000e+02;
	v10 =	vadd.s32 v10, v2  }
0x51: {  	p1 =	slt.u32 s12, $0x3FC;
	v9 =	vmul.f32 $2.560000000e+02, v9;
	v11 =	vmax.f32 v11, $0.0e+00;
	v12 =	vtrunc.f32 v12;
	[tilespmem:v7+s31+$0x0] =	vst.idx.add.f32.msk $0xffff, v1  }
0x52: {  	v14 =	vld [tilespmem:s13+$0xFFFFFFF0];
	v7 =	vmin.f32 v11, $2.550000000e+02;
	v11 =	vmax.f32 v8, $0.0e+00;
	v12 =	vcvt.f32.s32 v12  }
.Ltmp1:
0x53: {  	v8 =	vld [tilespmem:s13+$0x0];
	v15 =	vmax.f32 v9, $0.0e+00;
	v16 =	vtrunc.f32 v7;
	v7 =	vmin.f32 v11, $2.550000000e+02;
	(pc) =	sbr.rel @p1 .LBB2_5-.Ltmp1, $4  }
0x54: {  	v9 =	vld [tilespmem:s13+$0xFFFFFFE0];
	v11 =	vmin.f32 v15, $2.550000000e+02;
	v15 =	vtrunc.f32 v7;
	v7 =	vadd.s32 v12, v2  }
0x55: {  	v12 =	vmul.f32 $2.560000000e+02, v13;
	v11 =	vtrunc.f32 v11;
	[tilespmem:v10+s31+$0x0] =	vst.idx.add.f32.msk $0xffff, v1;
	v13 =	vadd.s32 v5, v2  }
0x56: {  	v5 =	vcvt.f32.s32 v16;
	v16 =	vadd.s32 v6, v2;
	v10 =	vcvt.f32.s32 v11;
	[tilespmem:v3+s31+$0x0] =	vst.idx.add.f32.msk $0xffff, v1;
	v3 =	vmovc v13  }
0x57: {  	s13 =	sadd.s32 $0x40, s13;
	v6 =	vcvt.f32.s32 v15;
	v11 =	vmul.f32 $2.560000000e+02, v14;
	v12 =	vmax.f32 v12, $0.0e+00;
	[tilespmem:v4+s31+$0x0] =	vst.idx.add.f32.msk $0xffff, v1;
	v4 =	vmovc v16  }
0x58: {  	v8 =	vmul.f32 $2.560000000e+02, v8;
	v12 =	vmin.f32 v12, $2.550000000e+02  }
0x59: {  	v10 =	vadd.s32 v10, v2;
	v5 =	vadd.s32 v5, v2;
	v9 =	vmul.f32 $2.560000000e+02, v9  }
0x5a: {  	v12 =	vtrunc.f32 v12;
	v11 =	vmax.f32 v11, $0.0e+00;
	v6 =	vadd.s32 v6, v2  }
0x5b: {  	v12 =	vcvt.f32.s32 v12;
	v11 =	vmin.f32 v11, $2.550000000e+02;
	v9 =	vmax.f32 v9, $0.0e+00  }
0x5c: {  	[tilespmem:v7+s31+$0x0] =	vst.idx.add.f32.msk $0xffff, v1;
	v8 =	vmax.f32 v8, $0.0e+00;
	v7 =	vtrunc.f32 v11;
	v9 =	vmin.f32 v9, $2.550000000e+02  }
0x5d: {  	v8 =	vmin.f32 v8, $2.550000000e+02;
	v7 =	vcvt.f32.s32 v7;
	v9 =	vtrunc.f32 v9  }
0x5e: {  	p1 =	seq.s32 s9, $0xB;
	[tilespmem:v3+s31+$0x0] =	vst.idx.add.f32.msk $0xffff, v1;
	v12 =	vadd.s32 v12, v2;
	v8 =	vtrunc.f32 v8;
	v9 =	vcvt.f32.s32 v9  }
0x5f: {  	[tilespmem:v4+s31+$0x0] =	vst.idx.add.f32.msk $0xffff, v1;
	p2 =	slt.u32 @!p1 s9, $0x5;
	v3 =	vcvt.f32.s32 v8;
	v4 =	vadd.s32 v7, v2  }
0x60: {  	s12 =	simm.s32 @!p1 $0x2;
	p2 =	por !p2, p1;
	[tilespmem:v10+s31+$0x0] =	vst.idx.add.f32.msk $0xffff, v1;
	v9 =	vadd.s32 v9, v2  }
0x61: {  	s12 =	simm.s32 @p2 $0x3FFF6;
	[tilespmem:v5+s31+$0x0] =	vst.idx.add.f32.msk $0xffff, v1;
	v2 =	vadd.s32 v3, v2  }
0x62: {  	s11 =	sadd.s32 @!p1 s11, s12;
	[tilespmem:v6+s31+$0x0] =	vst.idx.add.f32.msk $0xffff, v1  }
0x63: {  	s11 =	sshll.u32 @!p1 s11, $0xE;
	[tilespmem:v12+s31+$0x0] =	vst.idx.add.f32.msk $0xffff, v1  }
0x64: {  	s12 =	smov.u32 s0;
	s11 =	sadd.s32 @!p1 s6, s11;
	[tilespmem:v4+s31+$0x0] =	vst.idx.add.f32.msk $0xffff, v1  }
0x65: {  	s12 =	smov.u32 @p2 s1;
	s11 =	sshrl.u32 @!p1 s11, $0x3;
	[tilespmem:v9+s31+$0x0] =	vst.idx.add.f32.msk $0xffff, v1  }
0x66: {  	s11 =	sadd.s32 @!p1 s12, s11;
	s12 =	simm.s32 @!p1 $0x0;
	[tilespmem:v2+s31+$0x0] =	vst.idx.add.f32.msk $0xffff, v1  }
0x67: {  	[tilespmem:s12], [sflag:$0x1] =	stream.linear.gather @!p1 [hbm4b:s11+s12], $0x4000, $0x38;
	[tilespmem:$0xA590] =	vst v63  }
0x68: {  	_ =	swait.ge [sflag:s2], $0x4000  }
0x69: {  	[sflag:s2] =	ssyncset.done $0x0  }
0x6a: {  	s15 =	simm.s32 $0x4030;
	s13 =	simm.s32 $0x0;
	[sflag:s2] =	ssyncadd.s32 $0xFFFFC000  }
0x6b: {  	s12 =	sand.u32 $0x3FC0, s13;
	v2 =	vld [tilespmem:s15+$0x0]  }
0x6c: {  	v3 =	vld [tilespmem:s12+$0x4000]  }
0x6d: {  	v4 =	vld [tilespmem:s15+$0xFFFFFFE0]  }
0x6e: {  	v5 =	vld [tilespmem:s15+$0xFFFFFFF0];
	s15 =	simm.s32 $0x4070  }
0x6f: {  	v6 =	vld [tilespmem:s15+$0x0]  }
0x70: {  	v9 =	vld [tilespmem:s15+$0xFFFFFFE0]  }
0x71: {  	v10 =	vld [tilespmem:s15+$0xFFFFFFF0]  }
0x72: {  	s10 =	sadd.s32 s5, s10  }
0x73: {  	s12 =	sshra.s32 s10, $0x1F;
	v2 =	vmul.f32 $2.560000000e+02, v2;
	v3 =	vmul.f32 $2.560000000e+02, v3  }
0x74: {  	s13 =	simm.s32 $0x40;
	s14 =	sshrl.u32 s12, $0xE;
	v4 =	vmul.f32 $2.560000000e+02, v4;
	v5 =	vmul.f32 $2.560000000e+02, v5  }
0x75: {  	s13 =	sand.u32 $0x3FC0, s13;
	s10 =	sadd.s32 s14, s10;
	v6 =	vmul.f32 $2.560000000e+02, v6;
	v9 =	vmul.f32 $2.560000000e+02, v9;
	v3 =	vmax.f32 v3, $0.0e+00  }
0x76: {  	v8 =	vld [tilespmem:s13+$0x4000];
	s10 =	sshra.s32 s10, $0x12;
	v10 =	vmul.f32 $2.560000000e+02, v10;
	v2 =	vmax.f32 v2, $0.0e+00;
	v3 =	vmin.f32 v3, $2.550000000e+02  }
0x77: {  	s10 =	sadd.s32 s12, s10;
	v4 =	vmax.f32 v4, $0.0e+00;
	v5 =	vmax.f32 v5, $0.0e+00;
	v3 =	vtrunc.f32 v3  }
0x78: {  	s10 =	sshll.u32 s10, $0x8;
	v2 =	vmin.f32 v2, $2.550000000e+02;
	v4 =	vmin.f32 v4, $2.550000000e+02;
	v3 =	vcvt.f32.s32 v3  }
0x79: {  	v5 =	vmin.f32 v5, $2.550000000e+02;
	v7 =	vtrunc.f32 v2;
	v2 =	vmov s10  }
0x7a: {  	s14 =	simm.s32 $0x40B0;
	v7 =	vcvt.f32.s32 v7;
	v11 =	vadd.s32 v3, v2;
	v3 =	vtrunc.f32 v4  }
0x7b: {  	v6 =	vmax.f32 v6, $0.0e+00;
	s10 =	simm.s32 $0x80;
	v4 =	vtrunc.f32 v5;
	v5 =	vmul.f32 $2.560000000e+02, v8;
	v8 =	vld [tilespmem:s14+$0x0]  }
0x7c: {  	v9 =	vmax.f32 v9, $0.0e+00;
	v6 =	vmin.f32 v6, $2.550000000e+02;
	s15 =	sand.u32 $0x3FC0, s10;
	v7 =	vadd.s32 v7, v2  }
0x7d: {  	v9 =	vmin.f32 v9, $2.550000000e+02;
	v6 =	vtrunc.f32 v6;
	v12 =	vld [tilespmem:s15+$0x4000];
	v5 =	vmax.f32 v5, $0.0e+00  }
0x7e: {  	v14 =	vtrunc.f32 v9;
	v6 =	vcvt.f32.s32 v6;
	v5 =	vmin.f32 v5, $2.550000000e+02  }
0x7f: {  	v9 =	vld [tilespmem:s14+$0xFFFFFFF0];
	v3 =	vcvt.f32.s32 v3;
	v5 =	vtrunc.f32 v5  }
0x80: {  	v6 =	vadd.s32 v6, v2;
	v5 =	vcvt.f32.s32 v5;
	v13 =	vmul.f32 $2.560000000e+02, v8;
	v8 =	vld [tilespmem:s14+$0xFFFFFFE0]  }
0x81: {  	v4 =	vcvt.f32.s32 v4;
	v3 =	vadd.s32 v3, v2;
	[tilespmem:v7+s31+$0x0] =	vst.idx.add.f32.msk $0xffff, v1;
	v7 =	vmax.f32 v10, $0.0e+00  }
0x82: {  	[tilespmem:v11+s31+$0x0] =	vst.idx.add.f32.msk $0xffff, v1;
	v11 =	vmul.f32 $2.560000000e+02, v12;
	v7 =	vmin.f32 v7, $2.550000000e+02;
	v5 =	vadd.s32 v5, v2  }
0x83: {  	s11 =	simm.s32 $0x8;
	s12 =	simm.s32 $0x40F0;
	v10 =	vtrunc.f32 v7;
	v12 =	vmax.f32 v13, $0.0e+00;
	v7 =	vcvt.f32.s32 v14  }
.LBB2_7:
0x84: {  	v13 =	vld [tilespmem:s12+$0x0];
	v12 =	vmin.f32 v12, $2.550000000e+02;
	s10 =	sadd.s32 $0x40, s10;
	v14 =	vadd.s32 v4, v2;
	v4 =	vcvt.f32.s32 v10  }
0x85: {  	s11 =	sadd.s32 $0x4, s11;
	s13 =	sand.u32 $0x3FC0, s10;
	v10 =	vmax.f32 v11, $0.0e+00;
	v8 =	vmul.f32 $2.560000000e+02, v8;
	v11 =	vtrunc.f32 v12;
	[tilespmem:v6+s31+$0x0] =	vst.idx.add.f32.msk $0xffff, v1  }
0x86: {  	p1 =	slt.u32 s11, $0x3FC;
	v12 =	vld [tilespmem:s13+$0x4000];
	v6 =	vmin.f32 v10, $2.550000000e+02;
	v9 =	vmul.f32 $2.560000000e+02, v9;
	v10 =	vcvt.f32.s32 v11  }
.Ltmp2:
0x87: {  	v7 =	vadd.s32 v7, v2;
	v6 =	vtrunc.f32 v6;
	v11 =	vmax.f32 v8, $0.0e+00;
	[tilespmem:v5+s31+$0x0] =	vst.idx.add.f32.msk $0xffff, v1;
	(pc) =	sbr.rel @p1 .LBB2_7-.Ltmp2, $4  }
0x88: {  	v8 =	vld [tilespmem:s12+$0xFFFFFFE0];
	v5 =	vcvt.f32.s32 v6;
	v15 =	vmax.f32 v9, $0.0e+00;
	v6 =	vadd.s32 v10, v2  }
0x89: {  	v10 =	vmin.f32 v11, $2.550000000e+02;
	v9 =	vld [tilespmem:s12+$0xFFFFFFF0];
	v13 =	vmul.f32 $2.560000000e+02, v13;
	v11 =	vmin.f32 v15, $2.550000000e+02  }
0x8a: {  	v15 =	vtrunc.f32 v10;
	v5 =	vadd.s32 v5, v2;
	v10 =	vtrunc.f32 v11;
	[tilespmem:v3+s31+$0x0] =	vst.idx.add.f32.msk $0xffff, v1;
	v3 =	vmovc v7  }
0x8b: {  	s12 =	sadd.s32 $0x40, s12;
	v7 =	vcvt.f32.s32 v15;
	v11 =	vmul.f32 $2.560000000e+02, v12;
	v12 =	vmax.f32 v13, $0.0e+00;
	[tilespmem:v14+s31+$0x0] =	vst.idx.add.f32.msk $0xffff, v1  }
0x8c: {  	v12 =	vmin.f32 v12, $2.550000000e+02;
	v10 =	vcvt.f32.s32 v10;
	v4 =	vadd.s32 v4, v2  }
0x8d: {  	v11 =	vmax.f32 v11, $0.0e+00;
	v8 =	vmul.f32 $2.560000000e+02, v8;
	v12 =	vtrunc.f32 v12  }
0x8e: {  	v60 =	vadd.s32 v7, v2;
	v11 =	vmin.f32 v11, $2.550000000e+02;
	v9 =	vmul.f32 $2.560000000e+02, v9  }
0x8f: {  	v12 =	vcvt.f32.s32 v12;
	v62 =	vadd.s32 v10, v2;
	v8 =	vmax.f32 v8, $0.0e+00  }
0x90: {  	v11 =	vtrunc.f32 v11;
	v9 =	vmax.f32 v9, $0.0e+00;
	v8 =	vmin.f32 v8, $2.550000000e+02  }
0x91: {  	[tilespmem:v6+s31+$0x0] =	vst.idx.add.f32.msk $0xffff, v1;
	v11 =	vcvt.f32.s32 v11;
	v58 =	vmin.f32 v9, $2.550000000e+02;
	v8 =	vtrunc.f32 v8  }
0x92: {  	[tilespmem:v5+s31+$0x0] =	vst.idx.add.f32.msk $0xffff, v1;
	v12 =	vadd.s32 v12, v2;
	v6 =	vtrunc.f32 v58;
	v61 =	vcvt.f32.s32 v8  }
0x93: {  	[tilespmem:v3+s31+$0x0] =	vst.idx.add.f32.msk $0xffff, v1;
	v59 =	vadd.s32 v11, v2;
	v3 =	vcvt.f32.s32 v6  }
0x94: {  	s9 =	sadd.s32 $0x1, s9;
	[tilespmem:v4+s31+$0x0] =	vst.idx.add.f32.msk $0xffff, v1;
	v63 =	vadd.s32 v61, v2  }
0x95: {  	p1 =	sne.s32 s9, $0xC;
	[tilespmem:v60+s31+$0x0] =	vst.idx.add.f32.msk $0xffff, v1;
	v2 =	vadd.s32 v3, v2  }
.Ltmp3:
0x96: {  	[tilespmem:v62+s31+$0x0] =	vst.idx.add.f32.msk $0xffff, v1;
	(pc) =	sbr.rel @p1 .LBB2_4-.Ltmp3, $4  }
0x97: {  	[tilespmem:v12+s31+$0x0] =	vst.idx.add.f32.msk $0xffff, v1  }
0x98: {  	[tilespmem:v59+s31+$0x0] =	vst.idx.add.f32.msk $0xffff, v1  }
0x99: {  	[tilespmem:v63+s31+$0x0] =	vst.idx.add.f32.msk $0xffff, v1  }
0x9a: {  	[tilespmem:v2+s31+$0x0] =	vst.idx.add.f32.msk $0xffff, v1  }
0x9b: {  	s9 =	rddreg [dreg:$0x7]  }
0x9c: {  	[spmem:s9] =	stream.linear.scatter [tilespmem:s31], [sflag:$0x3], $0xC00, $0x38;
	[tilespmem:$0xA590] =	vst v63  }
0x9d: {  	_ =	swait.ge [sflag:s3], $0xC00  }
0x9e: {  	[sflag:s3] =	ssyncset.done $0x0  }
0x9f: {  	[sflag:s3] =	ssyncadd.s32 $0xFFFFF400  }
0xa0: {  	s10 =	simm.s32 $0x8C00;
	[bflag:$0x0] =	sbarrier.arrive $0xFFFF  }
0xa1: {  	[tilespmem:s10], [sflag:$0x1] =	stream.linear.gather [spmem:s7], $0xC0, $0x38;
	[tilespmem:$0xA590] =	vst v63  }
0xa2: {  	s11 =	rddreg [dreg:$0x8];
	s10 =	simm.s32 $0x8CC0  }
0xa3: {  	[tilespmem:s10], [sflag:$0x1] =	stream.linear.gather [spmem:s11], $0xC0, $0x38;
	[tilespmem:$0xA590] =	vst v63  }
0xa4: {  	s13 =	simm.s32 $0x8D80;
	s12 =	rddreg [dreg:$0x9]  }
0xa5: {  	[tilespmem:s13], [sflag:$0x1] =	stream.linear.gather [spmem:s12], $0xC0, $0x38;
	[tilespmem:$0xA590] =	vst v63  }
0xa6: {  	s15 =	simm.s32 $0x8E40;
	s14 =	rddreg [dreg:$0xa]  }
0xa7: {  	[tilespmem:s15], [sflag:$0x1] =	stream.linear.gather [spmem:s14], $0xC0, $0x38;
	[tilespmem:$0xA590] =	vst v63  }
0xa8: {  	s10 =	rddreg [dreg:$0xb];
	s11 =	simm.s32 $0x8F00  }
0xa9: {  	[tilespmem:s11], [sflag:$0x1] =	stream.linear.gather [spmem:s10], $0xC0, $0x38;
	[tilespmem:$0xA590] =	vst v63  }
0xaa: {  	s12 =	rddreg [dreg:$0xc];
	s13 =	simm.s32 $0x8FC0  }
0xab: {  	[tilespmem:s13], [sflag:$0x1] =	stream.linear.gather [spmem:s12], $0xC0, $0x38;
	[tilespmem:$0xA590] =	vst v63  }
0xac: {  	s14 =	rddreg [dreg:$0xd];
	s15 =	simm.s32 $0x9080  }
0xad: {  	[tilespmem:s15], [sflag:$0x1] =	stream.linear.gather [spmem:s14], $0xC0, $0x38;
	[tilespmem:$0xA590] =	vst v63  }
0xae: {  	s11 =	simm.s32 $0x9140  }
0xaf: {  	[tilespmem:s11], [sflag:$0x1] =	stream.linear.gather [spmem:s16], $0xC0, $0x38;
	[tilespmem:$0xA590] =	vst v63  }
0xb0: {  	s12 =	simm.s32 $0x9200  }
0xb1: {  	[tilespmem:s12], [sflag:$0x1] =	stream.linear.gather [spmem:s17], $0xC0, $0x38;
	[tilespmem:$0xA590] =	vst v63  }
0xb2: {  	s11 =	simm.s32 $0x92C0  }
0xb3: {  	[tilespmem:s11], [sflag:$0x1] =	stream.linear.gather [spmem:s18], $0xC0, $0x38;
	[tilespmem:$0xA590] =	vst v63  }
0xb4: {  	s13 =	simm.s32 $0x9380  }
0xb5: {  	[tilespmem:s13], [sflag:$0x1] =	stream.linear.gather [spmem:s19], $0xC0, $0x38;
	[tilespmem:$0xA590] =	vst v63  }
0xb6: {  	s14 =	simm.s32 $0x9440  }
0xb7: {  	[tilespmem:s14], [sflag:$0x1] =	stream.linear.gather [spmem:s20], $0xC0, $0x38;
	[tilespmem:$0xA590] =	vst v63  }
0xb8: {  	s15 =	simm.s32 $0x9500  }
0xb9: {  	[tilespmem:s15], [sflag:$0x1] =	stream.linear.gather [spmem:s21], $0xC0, $0x38;
	[tilespmem:$0xA590] =	vst v63  }
0xba: {  	s10 =	simm.s32 $0x95C0  }
0xbb: {  	[tilespmem:s10], [sflag:$0x1] =	stream.linear.gather [spmem:s23], $0xC0, $0x38;
	[tilespmem:$0xA590] =	vst v63  }
0xbc: {  	s12 =	simm.s32 $0x9680  }
0xbd: {  	[tilespmem:s12], [sflag:$0x1] =	stream.linear.gather [spmem:s26], $0xC0, $0x38;
	[tilespmem:$0xA590] =	vst v63  }
0xbe: {  	s13 =	simm.s32 $0x9740  }
0xbf: {  	[tilespmem:s13], [sflag:$0x1] =	stream.linear.gather [spmem:s28], $0xC0, $0x38;
	[tilespmem:$0xA590] =	vst v63  }
0xc0: {  	_ =	swait.ge [sflag:s30], $0xC00  }
0xc1: {  	[sflag:s30] =	ssyncset.done $0x0  }
0xc2: {  	[sflag:s30] =	ssyncadd.s32 $0xFFFFF400  }
0xc3: {  	v1 =	vld [tilespmem:s11+$0xFFFFF940]  }
0xc4: {  	s14 =	simm.s32 $0x0;
	v2 =	vld [tilespmem:s11+$0xFFFFFA00]  }
0xc5: {  	s12 =	sand.u32 $0xF0, s14  }
0xc6: {  	v3 =	vld [tilespmem:s12+$0x8D80];
	_ =	sdelay $0x1  }
0xc7: {  	v4 =	vld [tilespmem:s11+$0xFFFFFB80]  }
0xc8: {  	v1 =	vadd.f32 v2, v1  }
0xc9: {  	v2 =	vld [tilespmem:s12+$0x8F00]  }
0xca: {  	v1 =	vadd.f32 v3, v1  }
0xcb: {  	v3 =	vld [tilespmem:s11+$0xFFFFFD00]  }
0xcc: {  	v1 =	vadd.f32 v4, v1  }
0xcd: {  	v4 =	vld [tilespmem:s12+$0x9080]  }
0xce: {  	v1 =	vadd.f32 v2, v1  }
0xcf: {  	v2 =	vld [tilespmem:s11+$0xFFFFFE80]  }
0xd0: {  	v5 =	vld [tilespmem:s11+$0x0];
	v1 =	vadd.f32 v3, v1  }
0xd1: {  	s9 =	simm.s32 $0x92D0;
	v3 =	vld [tilespmem:s12+$0x9200]  }
0xd2: {  	v6 =	vld [tilespmem:s9+$0xFFFFF940];
	v1 =	vadd.f32 v4, v1  }
0xd3: {  	s15 =	simm.s32 $0x10;
	v4 =	vld [tilespmem:s9+$0xFFFFFA00]  }
0xd4: {  	s10 =	sand.u32 $0xF0, s15;
	v7 =	vld [tilespmem:s12+$0x9380];
	v1 =	vadd.f32 v2, v1  }
0xd5: {  	v2 =	vld [tilespmem:s10+$0x8D80]  }
0xd6: {  	v8 =	vld [tilespmem:s11+$0x180];
	v1 =	vadd.f32 v3, v1  }
0xd7: {  	v3 =	vld [tilespmem:s9+$0xFFFFFB80]  }
0xd8: {  	v9 =	vld [tilespmem:s12+$0x9500];
	v4 =	vadd.f32 v4, v6;
	v1 =	vadd.f32 v5, v1  }
0xd9: {  	v5 =	vld [tilespmem:s10+$0x8F00]  }
0xda: {  	v10 =	vld [tilespmem:s11+$0x300];
	v2 =	vadd.f32 v2, v4;
	v1 =	vadd.f32 v7, v1  }
0xdb: {  	v4 =	vld [tilespmem:s9+$0xFFFFFD00]  }
0xdc: {  	v11 =	vld [tilespmem:s12+$0x9680];
	v3 =	vadd.f32 v3, v2;
	v1 =	vadd.f32 v8, v1  }
0xdd: {  	v8 =	vld [tilespmem:s10+$0x9080]  }
0xde: {  	v6 =	vld [tilespmem:s9+$0xFFFFFE80];
	v5 =	vadd.f32 v5, v3;
	v1 =	vadd.f32 v9, v1  }
0xdf: {  	v2 =	vld [tilespmem:s11+$0x480];
	s11 =	simm.s32 $0x92E0  }
0xe0: {  	v7 =	vld [tilespmem:s11+$0xFFFFF940];
	v4 =	vadd.f32 v4, v5;
	v9 =	vadd.f32 v10, v1  }
0xe1: {  	v5 =	vld [tilespmem:s10+$0x9200]  }
0xe2: {  	v3 =	vld [tilespmem:s9+$0x0];
	v8 =	vadd.f32 v8, v4;
	v4 =	vadd.f32 v11, v9  }
0xe3: {  	s13 =	simm.s32 $0x30;
	s12 =	simm.s32 $0x20;
	v1 =	vimm.f32 $0.0e+00;
	v9 =	vld [tilespmem:s11+$0xFFFFFA00]  }
.LBB2_10:
0xe4: {  	p1 =	sne.s32 s13, $0xB0;
	s14 =	sand.u32 $0xF0, s12;
	v6 =	vadd.f32 v6, v8;
	v8 =	vld [tilespmem:s10+$0x9380];
	v2 =	vadd.f32 v2, v4;
	s12 =	smov.u32 s13  }
0xe5: {  	v4 =	vld [tilespmem:s14+$0x8D80]  }
0xe6: {  	v5 =	vadd.f32 v5, v6;
	v6 =	vld [tilespmem:s9+$0x180];
	v2 =	vand.u32 $0x7FFFFFFF, v2  }
0xe7: {  	v10 =	vld [tilespmem:s11+$0xFFFFFB80];
	v1 =	vadd.f32 v2, v1  }
0xe8: {  	v2 =	vadd.f32 v9, v7;
	v3 =	vadd.f32 v3, v5;
	v5 =	vld [tilespmem:s10+$0x9500]  }
0xe9: {  	v7 =	vld [tilespmem:s14+$0x8F00]  }
0xea: {  	v2 =	vadd.f32 v4, v2;
	v3 =	vadd.f32 v8, v3;
	v4 =	vld [tilespmem:s9+$0x300]  }
0xeb: {  	v8 =	vld [tilespmem:s11+$0xFFFFFD00]  }
0xec: {  	v2 =	vadd.f32 v10, v2;
	v3 =	vadd.f32 v6, v3;
	v9 =	vld [tilespmem:s10+$0x9680];
	s10 =	smov.u32 s14  }
0xed: {  	v10 =	vld [tilespmem:s10+$0x9080]  }
0xee: {  	v7 =	vadd.f32 v7, v2;
	v5 =	vadd.f32 v5, v3;
	v2 =	vld [tilespmem:s9+$0x480];
	s9 =	smov.u32 s11  }
.Ltmp4:
0xef: {  	v6 =	vld [tilespmem:s11+$0xFFFFFE80];
	(pc) =	sbr.rel @p1 .LBB2_10-.Ltmp4, $4  }
0xf0: {  	v8 =	vadd.f32 v8, v7;
	v3 =	vld [tilespmem:s11+$0x0];
	v4 =	vadd.f32 v4, v5  }
0xf1: {  	s11 =	sadd.s32 $0x10, s11;
	v5 =	vld [tilespmem:s10+$0x9200]  }
0xf2: {  	v7 =	vld [tilespmem:s11+$0xFFFFF940];
	v8 =	vadd.f32 v10, v8;
	v4 =	vadd.f32 v9, v4  }
0xf3: {  	s13 =	sadd.s32 $0x10, s13;
	v9 =	vld [tilespmem:s11+$0xFFFFFA00]  }
0xf4: {  	s12 =	sand.u32 $0xF0, s12  }
0xf5: {  	v10 =	vld [tilespmem:s12+$0x8D80];
	_ =	sdelay $0x1  }
0xf6: {  	v11 =	vld [tilespmem:s11+$0xFFFFFB80]  }
0xf7: {  	v7 =	vadd.f32 v9, v7  }
0xf8: {  	v44 =	vld [tilespmem:s12+$0x8F00]  }
0xf9: {  	v7 =	vadd.f32 v10, v7  }
0xfa: {  	v45 =	vld [tilespmem:s11+$0xFFFFFD00]  }
0xfb: {  	v7 =	vadd.f32 v11, v7  }
0xfc: {  	v46 =	vld [tilespmem:s12+$0x9080]  }
0xfd: {  	v7 =	vadd.f32 v44, v7  }
0xfe: {  	v47 =	vld [tilespmem:s11+$0xFFFFFE80]  }
0xff: {  	v7 =	vadd.f32 v45, v7  }
0x100: {  	v48 =	vld [tilespmem:s12+$0x9200]  }
0x101: {  	v6 =	vadd.f32 v6, v8;
	v49 =	vld [tilespmem:s10+$0x9380];
	v7 =	vadd.f32 v46, v7  }
0x102: {  	v50 =	vld [tilespmem:s11+$0x0]  }
0x103: {  	v51 =	vld [tilespmem:s9+$0x180];
	v5 =	vadd.f32 v5, v6;
	v7 =	vadd.f32 v47, v7  }
0x104: {  	v52 =	vld [tilespmem:s12+$0x9380]  }
0x105: {  	v53 =	vld [tilespmem:s10+$0x9500];
	v3 =	vadd.f32 v3, v5;
	v7 =	vadd.f32 v48, v7  }
0x106: {  	v54 =	vld [tilespmem:s11+$0x180]  }
0x107: {  	v55 =	vld [tilespmem:s9+$0x300];
	v3 =	vadd.f32 v49, v3;
	v7 =	vadd.f32 v50, v7  }
0x108: {  	v56 =	vld [tilespmem:s12+$0x9500]  }
0x109: {  	v57 =	vld [tilespmem:s10+$0x9680];
	v3 =	vadd.f32 v51, v3;
	v7 =	vadd.f32 v52, v7  }
0x10a: {  	v58 =	vld [tilespmem:s11+$0x300]  }
0x10b: {  	v59 =	vld [tilespmem:s9+$0x480];
	v3 =	vadd.f32 v53, v3;
	v7 =	vadd.f32 v54, v7  }
0x10c: {  	v60 =	vld [tilespmem:s12+$0x9680]  }
0x10d: {  	v3 =	vadd.f32 v55, v3;
	v7 =	vadd.f32 v56, v7  }
0x10e: {  	v2 =	vadd.f32 v2, v4;
	v61 =	vld [tilespmem:s11+$0x480]  }
0x10f: {  	v3 =	vadd.f32 v57, v3;
	v62 =	vadd.f32 v58, v7;
	_ =	sdelay $0x1  }
0x110: {  	v2 =	vand.u32 $0x7FFFFFFF, v2;
	v3 =	vadd.f32 v59, v3;
	v63 =	vadd.f32 v60, v62  }
0x111: {  	v1 =	vadd.f32 v2, v1  }
0x112: {  	v2 =	vand.u32 $0x7FFFFFFF, v3;
	v3 =	vadd.f32 v61, v63  }
0x113: {  	v1 =	vadd.f32 v2, v1  }
0x114: {  	v2 =	vand.u32 $0x7FFFFFFF, v3  }
0x115: {  	v1 =	vadd.f32 v2, v1;
	_ =	sdelay $0x1  }
0x116: {  	s15 =	simm.s32 $0x9800;
	[tilespmem:$0x9800] =	vst v1  }
0x117: {  	[spmem:s24] =	stream.linear.scatter [tilespmem:s15], [sflag:$0x3], $0x10, $0x38;
	[tilespmem:$0xA590] =	vst v63  }
0x118: {  	_ =	swait.ge [sflag:s3], $0x10  }
0x119: {  	[sflag:s3] =	ssyncset.done $0x0  }
0x11a: {  	[sflag:s3] =	ssyncadd.s32 $0xFFFFFFF0  }
0x11b: {  	[bflag:$0x0] =	sbarrier.arrive $0xFFFF  }
0x11c: {  	s9 =	simm.s32 @!p0 $0x9880;
	s10 =	rddreg [dreg:$0x4]  }
0x11d: {  	[tilespmem:s9], [sflag:$0x3] =	stream.linear.gather @!p0 [spmem:s10], $0x100, $0x38;
	[tilespmem:$0xA590] =	vst v63  }
0x11e: {  	s9 =	simm.s32 @!p0 $0x3  }
0x11f: {  	_ =	swait.ge @!p0 [sflag:s9], $0x100  }
0x120: {  	[sflag:s9] =	ssyncset.done @!p0 $0x0  }
0x121: {  	[sflag:s9] =	ssyncadd.s32 @!p0 $0xFFFFFF00  }
0x122: {  	v1 =	vld @!p0 [tilespmem:$0x9880];
	_ =	sdelay $0x1  }
0x123: {  	v2 =	vld @!p0 [tilespmem:$0x9890];
	_ =	sdelay $0x1  }
0x124: {  	v3 =	vld @!p0 [tilespmem:$0x98A0]  }
0x125: {  	v1 =	vadd.f32 @!p0 $0.0e+00, v1  }
0x126: {  	v4 =	vld @!p0 [tilespmem:$0x98B0]  }
0x127: {  	v1 =	vadd.f32 @!p0 v2, v1  }
0x128: {  	v2 =	vld @!p0 [tilespmem:$0x98C0]  }
0x129: {  	v1 =	vadd.f32 @!p0 v3, v1  }
0x12a: {  	v3 =	vld @!p0 [tilespmem:$0x98D0]  }
0x12b: {  	v1 =	vadd.f32 @!p0 v4, v1  }
0x12c: {  	v4 =	vld @!p0 [tilespmem:$0x98E0]  }
0x12d: {  	v1 =	vadd.f32 @!p0 v2, v1  }
0x12e: {  	v2 =	vld @!p0 [tilespmem:$0x98F0]  }
0x12f: {  	v1 =	vadd.f32 @!p0 v3, v1  }
0x130: {  	v3 =	vld @!p0 [tilespmem:$0x9900]  }
0x131: {  	v1 =	vadd.f32 @!p0 v4, v1  }
0x132: {  	v4 =	vld @!p0 [tilespmem:$0x9910]  }
0x133: {  	v1 =	vadd.f32 @!p0 v2, v1  }
0x134: {  	v2 =	vld @!p0 [tilespmem:$0x9920]  }
0x135: {  	v1 =	vadd.f32 @!p0 v3, v1  }
0x136: {  	v3 =	vld @!p0 [tilespmem:$0x9930]  }
0x137: {  	v1 =	vadd.f32 @!p0 v4, v1  }
0x138: {  	v4 =	vld @!p0 [tilespmem:$0x9940]  }
0x139: {  	v1 =	vadd.f32 @!p0 v2, v1  }
0x13a: {  	v2 =	vld @!p0 [tilespmem:$0x9950]  }
0x13b: {  	v1 =	vadd.f32 @!p0 v3, v1  }
0x13c: {  	v3 =	vld @!p0 [tilespmem:$0x9960]  }
0x13d: {  	v1 =	vadd.f32 @!p0 v4, v1  }
0x13e: {  	v4 =	vld @!p0 [tilespmem:$0x9970]  }
0x13f: {  	v1 =	vadd.f32 @!p0 v2, v1;
	_ =	sdelay $0x1  }
0x140: {  	v1 =	vadd.f32 @!p0 v3, v1;
	_ =	sdelay $0x1  }
0x141: {  	v1 =	vadd.f32 @!p0 v4, v1;
	_ =	sdelay $0x1  }
0x142: {  	s8 =	sadd.s32 $0x1, s8;
	v1 =	vmul.f32 @!p0 $6.208817350e-10, v1  }
0x143: {  	p1 =	sne.s32 s8, s25  }
.Ltmp5:
0x144: {  	s11 =	simm.s32 @!p0 $0x9800;
	s10 =	simm.s32 @!p0 $0x0;
	[tilespmem:$0x9800] =	vst @!p0 v1;
	(pc) =	sbr.rel @p1 .LBB2_1-.Ltmp5, $4  }
0x145: {  	[hbm4b:s22+s10] =	stream.linear.scatter @!p0 [tilespmem:s11], [sflag:$0x3], $0x10, $0x38;
	[tilespmem:$0xA590] =	vst v63  }
0x146: {  	_ =	swait.ge @!p0 [sflag:s9], $0x10  }
0x147: {  	[sflag:s9] =	ssyncset.done @!p0 $0x0  }
0x148: {  	[sflag:s9] =	ssyncadd.s32 @!p0 $0xFFFFFFF0  }
0x149: {  	_ =	sfence.sel $0x180000  }
0x14a: {  	[bflag:$0x0] =	sbarrier.arrive $0xFFFF  }
0x14b: {  	_ =	strace $0x90000047  }
0x14c: {  	[bflag:$0x2] =	sbarrier.arrive $0xFFFF  }
0x14d: {  	s0 =	rddreg [dreg:$0x5]  }
0x14e: {  	s0 =	sadd.s32 @!p0 $0x100000, s0  }
0x14f: {  	[sflag:s0] =	ssyncadd.tile.s32 @!p0 $0x1;
	_ =	shalt  }
.Lfunc_end2:
_tile_overlayer_lowered:
.L_overlay_start_2:
0x150: {  	(tag) =	ssettag $0x2  }
0x151: {  	s0 =	rddreg [dreg:$0x0];
	s2 =	stileid.u32  }
0x152: {  	s1 =	rddreg [dreg:$0x1];
	p0 =	sne.s32 s2, $0x0  }
0x153: {  	s3 =	rddreg [dreg:$0x2];
	[bflag:$0x3] =	sbarrier.arrive $0xFFFF;
	s2 =	simm.s32 @!p0 $0x1C03  }
0x154: {  	[timem:s3], [sflag:s2] =	dma.local @!p0 [hbm:s0], s1  }
0x155: {  	s0 =	simm.s32 @!p0 $0x3  }
0x156: {  	_ =	swait.ge @!p0 [sflag:s0], s1  }
0x157: {  	s1 =	ssub.s32 @!p0 $0x0, s1;
	[sflag:s0] =	ssyncset.done @!p0 $0x0  }
0x158: {  	[sflag:s0] =	ssyncadd.s32 @!p0 s1  }
0x159: {  	[bflag:$0x3] =	sbarrier.arrive $0xFFFF  }
0x15a: {  	_ =	shalt  }

</sc_bundles>
